<compile_context>
chip_gen: v7x
topology: tpu7x:2x2x1
jax: 0.10.2.dev20260603
libtpu: 0.0.44.dev20260713+nightly
codegen_flags: <defaults>
</compile_context>

<pallas_src>
import functools

import jax
import jax.numpy as jnp
from jax import lax
from jax.experimental import pallas as pl
from jax.experimental.pallas import tpu as pltpu
from jax.experimental.pallas import tpu_sc as plsc

_N = 512
_B = 16
_TR = 64
_NR = _N // _TR

_K = 2
_ROWS = _K * _N
_NW = 32
_RPW = _ROWS // _NW
_CH = 16
_NCH = _RPW // _CH

_ROT = ((13, 15, 26, 6), (17, 29, 16, 24))
_KS = (0x0, 0x2A, 0x1BD11BDA ^ 0x0 ^ 0x2A)


def _threefry_bits(ctr):
    x0 = jnp.zeros_like(ctr) + jnp.uint32(_KS[0])
    x1 = ctr + jnp.uint32(_KS[1])
    for i in range(5):
        for r in _ROT[i % 2]:
            x0 = x0 + x1
            x1 = (x1 << jnp.uint32(r)) | (x1 >> jnp.uint32(32 - r))
            x1 = x1 ^ x0
        x0 = x0 + jnp.uint32(_KS[(i + 1) % 3])
        x1 = x1 + jnp.uint32(_KS[(i + 2) % 3] + i + 1)
    return x0 ^ x1


def _bits_to_uniform(bits):
    fb = (bits >> jnp.uint32(9)) | jnp.uint32(0x3F800000)
    f = jax.lax.bitcast_convert_type(fb, jnp.float32) - jnp.float32(1.0)
    minv = jnp.float32(1e-6)
    span = jnp.float32((1.0 - 1e-6) - 1e-6)
    return jnp.maximum(minv, f * span + minv)



_mesh = plsc.VectorSubcoreMesh(
    core_axis_name="c", subcore_axis_name="s", num_cores=2, num_subcores=16
)


@functools.partial(
    pl.kernel,
    out_type=jax.ShapeDtypeStruct((_ROWS, _N), jnp.float32),
    mesh=_mesh,
    scratch_types=[
        pltpu.VMEM((_B + 16,), jnp.int32),
        pltpu.VMEM((_CH, _N), jnp.float32),
        pltpu.VMEM((_CH, _N), jnp.float32),
    ],
)
def _sc_sample(a_hbm, len_hbm, out_hbm, len_v, a_v, o_v):
    wid = lax.axis_index("c") * 16 + lax.axis_index("s")
    row0 = wid * _RPW
    pltpu.sync_copy(len_hbm, len_v.at[pl.ds(0, _B)])
    lane = lax.iota(jnp.int32, 16)

    @pl.loop(0, _NCH)
    def _chunk(ci):
        r_start = row0 + ci * _CH
        pltpu.sync_copy(a_hbm.at[pl.ds(r_start, _CH)], a_v)

        @pl.loop(0, _CH)
        def _row(r):
            grow = r_start + r
            rib = grow & (_N - 1)
            batch = lax.shift_right_logical(grow, 9)
            ln_s = len_v[pl.ds(batch, 16)][0]
            lim = ln_s & lax.shift_right_arithmetic(rib - ln_s, 31)
            limv = jnp.full((16,), lim, jnp.int32)
            rv = jnp.full((16,), rib, jnp.int32)
            ctr_base = grow * _N

            @pl.loop(0, _N // 16)
            def _col(j):
                col = lane + j * 16
                ctr = (ctr_base + col).astype(jnp.uint32)
                u = _bits_to_uniform(_threefry_bits(ctr))
                a = a_v[r, pl.ds(j * 16, 16)]
                y = u / (u + (jnp.float32(1.0) - u) * jnp.exp(-a))
                zero = jnp.float32(0.0)
                y = jnp.where(col != rv, y, zero)
                y = jnp.where(col < limv, y, zero)
                o_v[r, pl.ds(j * 16, 16)] = y

        pltpu.sync_copy(o_v, out_hbm.at[pl.ds(r_start, _CH)])




def _tc_body(len_ref, a_ref, o_ref):
    b = pl.program_id(0) + _K
    ln = len_ref[b]
    nr = jax.lax.div(ln + (_TR - 1), _TR)

    @pl.loop(0, nr)
    def _live_rows(ri):
        r0 = ri * _TR
        rows = r0 + jax.lax.broadcasted_iota(jnp.int32, (_TR, _N), 0)
        cols = jax.lax.broadcasted_iota(jnp.int32, (_TR, _N), 1)
        a = a_ref[0, pl.ds(r0, _TR), :]
        ctr = (b * (_N * _N) + rows * _N + cols).astype(jnp.uint32)
        u = _bits_to_uniform(_threefry_bits(ctr))
        y = u / (u + (jnp.float32(1.0) - u) * jnp.exp(-a))
        m = (rows < ln) & (cols < ln) & (rows != cols)
        o_ref[0, pl.ds(r0, _TR), :] = jnp.where(m, y, jnp.float32(0.0))

    @pl.loop(nr, _NR)
    def _dead_rows(ri):
        o_ref[0, pl.ds(ri * _TR, _TR), :] = jnp.zeros((_TR, _N), jnp.float32)


def _merge_body(s_ref, t_ref, o_ref):
    del t_ref
    o_ref[0] = s_ref[0]


def kernel(A, lengths):
    lengths32 = lengths.astype(jnp.int32)
    sc_out = _sc_sample(A.reshape(_B * _N, _N), lengths32)
    tc_out = pl.pallas_call(
        _tc_body,
        grid=(_B - _K,),
        in_specs=[
            pl.BlockSpec(memory_space=pltpu.SMEM),
            pl.BlockSpec((1, _N, _N), lambda b: (b + _K, 0, 0)),
        ],
        out_specs=pl.BlockSpec((1, _N, _N), lambda b: (b + _K, 0, 0)),
        out_shape=jax.ShapeDtypeStruct((_B, _N, _N), jnp.float32),
    )(lengths32, A)
    return pl.pallas_call(
        _merge_body,
        grid=(_K,),
        in_specs=[
            pl.BlockSpec((1, _N, _N), lambda b: (b, 0, 0)),
            pl.BlockSpec(memory_space=pl.ANY),
        ],
        out_specs=pl.BlockSpec((1, _N, _N), lambda b: (b, 0, 0)),
        out_shape=jax.ShapeDtypeStruct((_B, _N, _N), jnp.float32),
        input_output_aliases={1: 0},
    )(sc_out.reshape(_K, _N, _N), tc_out)

# --- scband reference (transcript-rebuilt; emitter-appended) ---
"""Pipeline reference for scband-independent-sampler-20899310862753 (READ-ONLY COPY).

The authoritative reference and input builder live on the scoring server;
editing this copy changes nothing except your own understanding.
"""

import jax, jax.numpy as jnp
import numpy as np

TAU = 1.0

def setup_inputs(seed: int = 0) -> dict:
    key = jax.random.key(seed)
    k1, k2 = jax.random.split(key)
    A = jax.random.normal(k1, (16, 512, 512), dtype=jnp.float32)
    lengths = jax.random.randint(k2, (16,), 0, 512).astype(jnp.int64)
    return {"A": A, "lengths": lengths}

def _length_arc_mask(lengths, N):
    idx = jnp.arange(N)
    valid_row = idx[None, :, None] < lengths[:, None, None]
    valid_col = idx[None, None, :] < lengths[:, None, None]
    no_diag = ~jnp.eye(N, dtype=bool)[None, :, :]
    return valid_row & valid_col & no_diag

def reference(A, lengths):
    # IndependentSampler(type='arc', mode='soft', tau=TAU), training forward:
    # independent binary-concrete (Gumbel-sigmoid) relaxation of each arc,
    # masked to valid (i<len, j<len, i!=j) positions.
    B, N, _ = A.shape
    nkey = jax.random.key(42)
    U = jax.random.uniform(nkey, A.shape, minval=1e-6, maxval=1.0 - 1e-6, dtype=A.dtype)
    logistic_noise = jnp.log(U) - jnp.log1p(-U)
    y_soft = jax.nn.sigmoid((A + logistic_noise) / TAU)
    mask = _length_arc_mask(lengths, N)
    sample = jnp.where(mask, y_soft, 0.0)
    return sample

if __name__ == "__main__":
    import jax
    _d = setup_inputs()
    print(jax.jit(kernel)(*tuple(_d.values())))

</pallas_src>

<mosaic_0001>
#map = affine_map<(d0, d1) -> (0, 0)>
#map1 = affine_map<(d0, d1) -> (0)>
module attributes {stable_mosaic.version = 14 : i64} {
  func.func @_sc_sample(%arg0: i32, %arg1: i32, %arg2: memref<8192x512xf32, #tpu.memory_space<hbm>>, %arg3: memref<16xi32, #tpu.memory_space<hbm>>, %arg4: memref<1024x512xf32, #tpu.memory_space<hbm>>, %arg5: memref<32xi32, #tpu.memory_space<vmem>>, %arg6: memref<16x512xf32, #tpu.memory_space<vmem>>, %arg7: memref<16x512xf32, #tpu.memory_space<vmem>>) attributes {dimension_semantics = [#tpu.dimension_semantics<core_parallel>, #tpu.dimension_semantics<subcore_parallel>], iteration_bounds = array<i64: 2, 16>, scalar_prefetch = 0 : i64, scratch_operands = 3 : i64, tpu.core_type = #tpu.core_type<sc_vector_subcore>, window_params = [{transform_indices = #map}, {transform_indices = #map1}, {transform_indices = #map}]} {
    %mul3A = arith.constant 16 : i32
    %mul3A_0 = arith.muli %arg0, %mul3A : i32
    %add3A = arith.addi %mul3A_0, %arg1 : i32
    %mul3A_1 = arith.constant 32 : i32
    %mul3A_2 = arith.muli %add3A, %mul3A_1 : i32
    "tpu.region"() ({
      %run_scoped3A = tpu.sem_alloc : memref<!tpu.dma_semaphore, #tpu.memory_space<semaphore_mem>>
      %dma_start3A = arith.constant 0 : i32
      %dma_start3A_7 = tpu.memref_slice %arg5[%dma_start3A] : memref<32xi32, #tpu.memory_space<vmem>> -> memref<16xi32, #tpu.memory_space<vmem>>
      %dma_start3A_8 = arith.constant 0 : i32
      %dma_start3A_9 = tpu.memref_slice %arg5[%dma_start3A_8] : memref<32xi32, #tpu.memory_space<vmem>> -> memref<16xi32, #tpu.memory_space<vmem>>
      tpu.enqueue_dma source(%arg3 : memref<16xi32, #tpu.memory_space<hbm>>) target(%dma_start3A_9 : memref<16xi32, #tpu.memory_space<vmem>>) target_semaphore(%run_scoped3A : memref<!tpu.dma_semaphore, #tpu.memory_space<semaphore_mem>>)
      %dma_wait3A = arith.constant 0 : i32
      %dma_wait3A_10 = tpu.memref_slice %arg5[%dma_wait3A] : memref<32xi32, #tpu.memory_space<vmem>> -> memref<16xi32, #tpu.memory_space<vmem>>
      %dma_wait3A_11 = arith.constant 0 : i32
      %dma_wait3A_12 = tpu.memref_slice %arg5[%dma_wait3A_11] : memref<32xi32, #tpu.memory_space<vmem>> -> memref<16xi32, #tpu.memory_space<vmem>>
      tpu.wait_dma2 semaphore(%run_scoped3A : memref<!tpu.dma_semaphore, #tpu.memory_space<semaphore_mem>>) src(%arg3 : memref<16xi32, #tpu.memory_space<hbm>>) dst(%dma_wait3A_12 : memref<16xi32, #tpu.memory_space<vmem>>)
      tpu.yield
    }) : () -> ()
    %iota3A = tpu.iota {dimensions = array<i32: 0>} : vector<16xi32>
    %scan3A = arith.constant 0 : i32
    %scan3A_3 = arith.constant 2 : i32
    %scan3A_4 = arith.addi %scan3A, %scan3A_3 : i32
    %scan3A_5 = arith.constant 1 : i32
    scf.for %scan3A_7 = %scan3A to %scan3A_4 step %scan3A_5  : i32 {
      %mul3A_8 = arith.constant 1 : i32
      %mul3A_9 = arith.muli %scan3A_7, %mul3A_8 : i32
      %add3A_10 = arith.constant 0 : i32
      %add3A_11 = arith.addi %add3A_10, %mul3A_9 : i32
      %mul3A_12 = arith.constant 16 : i32
      %mul3A_13 = arith.muli %add3A_11, %mul3A_12 : i32
      %add3A_14 = arith.addi %mul3A_2, %mul3A_13 : i32
      "tpu.region"() ({
        %run_scoped3A = tpu.sem_alloc : memref<!tpu.dma_semaphore, #tpu.memory_space<semaphore_mem>>
        %dma_start3A = arith.constant 0 : i32
        %dma_start3A_20 = tpu.memref_slice %arg2[%add3A_14, %dma_start3A] : memref<8192x512xf32, #tpu.memory_space<hbm>> -> memref<16x512xf32, #tpu.memory_space<hbm>>
        %dma_start3A_21 = arith.constant 0 : i32
        %dma_start3A_22 = tpu.memref_slice %arg2[%add3A_14, %dma_start3A_21] : memref<8192x512xf32, #tpu.memory_space<hbm>> -> memref<16x512xf32, #tpu.memory_space<hbm>>
        tpu.enqueue_dma source(%dma_start3A_22 : memref<16x512xf32, #tpu.memory_space<hbm>>) target(%arg6 : memref<16x512xf32, #tpu.memory_space<vmem>>) target_semaphore(%run_scoped3A : memref<!tpu.dma_semaphore, #tpu.memory_space<semaphore_mem>>)
        %dma_wait3A = arith.constant 0 : i32
        %dma_wait3A_23 = tpu.memref_slice %arg2[%add3A_14, %dma_wait3A] : memref<8192x512xf32, #tpu.memory_space<hbm>> -> memref<16x512xf32, #tpu.memory_space<hbm>>
        %dma_wait3A_24 = arith.constant 0 : i32
        %dma_wait3A_25 = tpu.memref_slice %arg2[%add3A_14, %dma_wait3A_24] : memref<8192x512xf32, #tpu.memory_space<hbm>> -> memref<16x512xf32, #tpu.memory_space<hbm>>
        tpu.wait_dma2 semaphore(%run_scoped3A : memref<!tpu.dma_semaphore, #tpu.memory_space<semaphore_mem>>) src(%dma_wait3A_25 : memref<16x512xf32, #tpu.memory_space<hbm>>) dst(%arg6 : memref<16x512xf32, #tpu.memory_space<vmem>>)
        tpu.yield
      }) : () -> ()
      %scan3A_15 = arith.constant 0 : i32
      %scan3A_16 = arith.constant 16 : i32
      %scan3A_17 = arith.addi %scan3A_15, %scan3A_16 : i32
      %scan3A_18 = arith.constant 1 : i32
      scf.for %scan3A_20 = %scan3A_15 to %scan3A_17 step %scan3A_18  : i32 {
        %mul3A_21 = arith.constant 1 : i32
        %mul3A_22 = arith.muli %scan3A_20, %mul3A_21 : i32
        %add3A_23 = arith.constant 0 : i32
        %add3A_24 = arith.addi %add3A_23, %mul3A_22 : i32
        %add3A_25 = arith.addi %add3A_14, %add3A_24 : i32
        %and3A = arith.constant 511 : i32
        %and3A_26 = arith.andi %add3A_25, %and3A : i32
        %shift_right_logical3A = arith.constant 9 : i32
        %shift_right_logical3A_27 = arith.shrui %add3A_25, %shift_right_logical3A : i32
        %get3A = arith.index_cast %shift_right_logical3A_27 : i32 to index
        %get3A_28 = tpu.vector_load %arg5[%get3A] {strides = array<i32>} : memref<32xi32, #tpu.memory_space<vmem>>, vector<16xi32>,
        %get3A_29 = vector.shape_cast %get3A_28 : vector<16xi32> to vector<16xi32>
        %slice3A = vector.extract_strided_slice %get3A_29 {offsets = [0], sizes = [1], strides = [1]} : vector<16xi32> to vector<1xi32>
        %squeeze3A = vector.extract %slice3A[0] : i32 from vector<1xi32>
        %sub3A = arith.subi %and3A_26, %squeeze3A : i32
        %shift_right_arithmetic3A = arith.constant 31 : i32
        %shift_right_arithmetic3A_30 = arith.shrsi %sub3A, %shift_right_arithmetic3A : i32
        %and3A_31 = arith.andi %squeeze3A, %shift_right_arithmetic3A_30 : i32
        %broadcast_in_dim3A = vector.broadcast %and3A_31 : i32 to vector<16xi32>
        %broadcast_in_dim3A_32 = vector.broadcast %and3A_26 : i32 to vector<16xi32>
        %mul3A_33 = arith.constant 512 : i32
        %mul3A_34 = arith.muli %add3A_25, %mul3A_33 : i32
        %scan3A_35 = arith.constant 0 : i32
        %scan3A_36 = arith.constant 32 : i32
        %scan3A_37 = arith.addi %scan3A_35, %scan3A_36 : i32
        %scan3A_38 = arith.constant 1 : i32
        scf.for %scan3A_40 = %scan3A_35 to %scan3A_37 step %scan3A_38  : i32 {
          %mul3A_41 = arith.constant 1 : i32
          %mul3A_42 = arith.muli %scan3A_40, %mul3A_41 : i32
          %add3A_43 = arith.constant 0 : i32
          %add3A_44 = arith.addi %add3A_43, %mul3A_42 : i32
          %mul3A_45 = arith.constant 16 : i32
          %mul3A_46 = arith.muli %add3A_44, %mul3A_45 : i32
          %add3A_47 = vector.broadcast %mul3A_46 : i32 to vector<16xi32>
          %add3A_48 = arith.addi %iota3A, %add3A_47 : vector<16xi32>
          %add3A_49 = vector.broadcast %mul3A_34 : i32 to vector<16xi32>
          %add3A_50 = arith.addi %add3A_49, %add3A_48 : vector<16xi32>
          %broadcast_in_dim3A_51 = arith.constant 0 : i32
          %broadcast_in_dim3A_52 = vector.broadcast %broadcast_in_dim3A_51 : i32 to vector<16xi32>
          %add3A_53 = arith.constant 0 : i32
          %add3A_54 = vector.broadcast %add3A_53 : i32 to vector<16xi32>
          %add3A_55 = arith.addi %broadcast_in_dim3A_52, %add3A_54 : vector<16xi32>
          %add3A_56 = arith.constant 42 : i32
          %add3A_57 = vector.broadcast %add3A_56 : i32 to vector<16xi32>
          %add3A_58 = arith.addi %add3A_50, %add3A_57 : vector<16xi32>
          %add3A_59 = arith.addi %add3A_55, %add3A_58 : vector<16xi32>
          %shift_left3A = arith.constant 13 : i32
          %shift_left3A_60 = vector.broadcast %shift_left3A : i32 to vector<16xi32>
          %shift_left3A_61 = arith.shli %add3A_58, %shift_left3A_60 : vector<16xi32>
          %shift_right_logical3A_62 = arith.constant 19 : i32
          %shift_right_logical3A_63 = vector.broadcast %shift_right_logical3A_62 : i32 to vector<16xi32>
          %shift_right_logical3A_64 = arith.shrui %add3A_58, %shift_right_logical3A_63 : vector<16xi32>
          %or3A = arith.ori %shift_left3A_61, %shift_right_logical3A_64 : vector<16xi32>
          %xor3A = arith.xori %or3A, %add3A_59 : vector<16xi32>
          %add3A_65 = arith.addi %add3A_59, %xor3A : vector<16xi32>
          %shift_left3A_66 = arith.constant 15 : i32
          %shift_left3A_67 = vector.broadcast %shift_left3A_66 : i32 to vector<16xi32>
          %shift_left3A_68 = arith.shli %xor3A, %shift_left3A_67 : vector<16xi32>
          %shift_right_logical3A_69 = arith.constant 17 : i32
          %shift_right_logical3A_70 = vector.broadcast %shift_right_logical3A_69 : i32 to vector<16xi32>
          %shift_right_logical3A_71 = arith.shrui %xor3A, %shift_right_logical3A_70 : vector<16xi32>
          %or3A_72 = arith.ori %shift_left3A_68, %shift_right_logical3A_71 : vector<16xi32>
          %xor3A_73 = arith.xori %or3A_72, %add3A_65 : vector<16xi32>
          %add3A_74 = arith.addi %add3A_65, %xor3A_73 : vector<16xi32>
          %shift_left3A_75 = arith.constant 26 : i32
          %shift_left3A_76 = vector.broadcast %shift_left3A_75 : i32 to vector<16xi32>
          %shift_left3A_77 = arith.shli %xor3A_73, %shift_left3A_76 : vector<16xi32>
          %shift_right_logical3A_78 = arith.constant 6 : i32
          %shift_right_logical3A_79 = vector.broadcast %shift_right_logical3A_78 : i32 to vector<16xi32>
          %shift_right_logical3A_80 = arith.shrui %xor3A_73, %shift_right_logical3A_79 : vector<16xi32>
          %or3A_81 = arith.ori %shift_left3A_77, %shift_right_logical3A_80 : vector<16xi32>
          %xor3A_82 = arith.xori %or3A_81, %add3A_74 : vector<16xi32>
          %add3A_83 = arith.addi %add3A_74, %xor3A_82 : vector<16xi32>
          %shift_left3A_84 = arith.constant 6 : i32
          %shift_left3A_85 = vector.broadcast %shift_left3A_84 : i32 to vector<16xi32>
          %shift_left3A_86 = arith.shli %xor3A_82, %shift_left3A_85 : vector<16xi32>
          %shift_right_logical3A_87 = arith.constant 26 : i32
          %shift_right_logical3A_88 = vector.broadcast %shift_right_logical3A_87 : i32 to vector<16xi32>
          %shift_right_logical3A_89 = arith.shrui %xor3A_82, %shift_right_logical3A_88 : vector<16xi32>
          %or3A_90 = arith.ori %shift_left3A_86, %shift_right_logical3A_89 : vector<16xi32>
          %xor3A_91 = arith.xori %or3A_90, %add3A_83 : vector<16xi32>
          %add3A_92 = arith.constant 42 : i32
          %add3A_93 = vector.broadcast %add3A_92 : i32 to vector<16xi32>
          %add3A_94 = arith.addi %add3A_83, %add3A_93 : vector<16xi32>
          %add3A_95 = arith.constant 466689009 : i32
          %add3A_96 = vector.broadcast %add3A_95 : i32 to vector<16xi32>
          %add3A_97 = arith.addi %xor3A_91, %add3A_96 : vector<16xi32>
          %add3A_98 = arith.addi %add3A_94, %add3A_97 : vector<16xi32>
          %shift_left3A_99 = arith.constant 17 : i32
          %shift_left3A_100 = vector.broadcast %shift_left3A_99 : i32 to vector<16xi32>
          %shift_left3A_101 = arith.shli %add3A_97, %shift_left3A_100 : vector<16xi32>
          %shift_right_logical3A_102 = arith.constant 15 : i32
          %shift_right_logical3A_103 = vector.broadcast %shift_right_logical3A_102 : i32 to vector<16xi32>
          %shift_right_logical3A_104 = arith.shrui %add3A_97, %shift_right_logical3A_103 : vector<16xi32>
          %or3A_105 = arith.ori %shift_left3A_101, %shift_right_logical3A_104 : vector<16xi32>
          %xor3A_106 = arith.xori %or3A_105, %add3A_98 : vector<16xi32>
          %add3A_107 = arith.addi %add3A_98, %xor3A_106 : vector<16xi32>
          %shift_left3A_108 = arith.constant 29 : i32
          %shift_left3A_109 = vector.broadcast %shift_left3A_108 : i32 to vector<16xi32>
          %shift_left3A_110 = arith.shli %xor3A_106, %shift_left3A_109 : vector<16xi32>
          %shift_right_logical3A_111 = arith.constant 3 : i32
          %shift_right_logical3A_112 = vector.broadcast %shift_right_logical3A_111 : i32 to vector<16xi32>
          %shift_right_logical3A_113 = arith.shrui %xor3A_106, %shift_right_logical3A_112 : vector<16xi32>
          %or3A_114 = arith.ori %shift_left3A_110, %shift_right_logical3A_113 : vector<16xi32>
          %xor3A_115 = arith.xori %or3A_114, %add3A_107 : vector<16xi32>
          %add3A_116 = arith.addi %add3A_107, %xor3A_115 : vector<16xi32>
          %shift_left3A_117 = arith.constant 16 : i32
          %shift_left3A_118 = vector.broadcast %shift_left3A_117 : i32 to vector<16xi32>
          %shift_left3A_119 = arith.shli %xor3A_115, %shift_left3A_118 : vector<16xi32>
          %shift_right_logical3A_120 = arith.constant 16 : i32
          %shift_right_logical3A_121 = vector.broadcast %shift_right_logical3A_120 : i32 to vector<16xi32>
          %shift_right_logical3A_122 = arith.shrui %xor3A_115, %shift_right_logical3A_121 : vector<16xi32>
          %or3A_123 = arith.ori %shift_left3A_119, %shift_right_logical3A_122 : vector<16xi32>
          %xor3A_124 = arith.xori %or3A_123, %add3A_116 : vector<16xi32>
          %add3A_125 = arith.addi %add3A_116, %xor3A_124 : vector<16xi32>
          %shift_left3A_126 = arith.constant 24 : i32
          %shift_left3A_127 = vector.broadcast %shift_left3A_126 : i32 to vector<16xi32>
          %shift_left3A_128 = arith.shli %xor3A_124, %shift_left3A_127 : vector<16xi32>
          %shift_right_logical3A_129 = arith.constant 8 : i32
          %shift_right_logical3A_130 = vector.broadcast %shift_right_logical3A_129 : i32 to vector<16xi32>
          %shift_right_logical3A_131 = arith.shrui %xor3A_124, %shift_right_logical3A_130 : vector<16xi32>
          %or3A_132 = arith.ori %shift_left3A_128, %shift_right_logical3A_131 : vector<16xi32>
          %xor3A_133 = arith.xori %or3A_132, %add3A_125 : vector<16xi32>
          %add3A_134 = arith.constant 466689008 : i32
          %add3A_135 = vector.broadcast %add3A_134 : i32 to vector<16xi32>
          %add3A_136 = arith.addi %add3A_125, %add3A_135 : vector<16xi32>
          %add3A_137 = arith.constant 2 : i32
          %add3A_138 = vector.broadcast %add3A_137 : i32 to vector<16xi32>
          %add3A_139 = arith.addi %xor3A_133, %add3A_138 : vector<16xi32>
          %add3A_140 = arith.addi %add3A_136, %add3A_139 : vector<16xi32>
          %shift_left3A_141 = arith.constant 13 : i32
          %shift_left3A_142 = vector.broadcast %shift_left3A_141 : i32 to vector<16xi32>
          %shift_left3A_143 = arith.shli %add3A_139, %shift_left3A_142 : vector<16xi32>
          %shift_right_logical3A_144 = arith.constant 19 : i32
          %shift_right_logical3A_145 = vector.broadcast %shift_right_logical3A_144 : i32 to vector<16xi32>
          %shift_right_logical3A_146 = arith.shrui %add3A_139, %shift_right_logical3A_145 : vector<16xi32>
          %or3A_147 = arith.ori %shift_left3A_143, %shift_right_logical3A_146 : vector<16xi32>
          %xor3A_148 = arith.xori %or3A_147, %add3A_140 : vector<16xi32>
          %add3A_149 = arith.addi %add3A_140, %xor3A_148 : vector<16xi32>
          %shift_left3A_150 = arith.constant 15 : i32
          %shift_left3A_151 = vector.broadcast %shift_left3A_150 : i32 to vector<16xi32>
          %shift_left3A_152 = arith.shli %xor3A_148, %shift_left3A_151 : vector<16xi32>
          %shift_right_logical3A_153 = arith.constant 17 : i32
          %shift_right_logical3A_154 = vector.broadcast %shift_right_logical3A_153 : i32 to vector<16xi32>
          %shift_right_logical3A_155 = arith.shrui %xor3A_148, %shift_right_logical3A_154 : vector<16xi32>
          %or3A_156 = arith.ori %shift_left3A_152, %shift_right_logical3A_155 : vector<16xi32>
          %xor3A_157 = arith.xori %or3A_156, %add3A_149 : vector<16xi32>
          %add3A_158 = arith.addi %add3A_149, %xor3A_157 : vector<16xi32>
          %shift_left3A_159 = arith.constant 26 : i32
          %shift_left3A_160 = vector.broadcast %shift_left3A_159 : i32 to vector<16xi32>
          %shift_left3A_161 = arith.shli %xor3A_157, %shift_left3A_160 : vector<16xi32>
          %shift_right_logical3A_162 = arith.constant 6 : i32
          %shift_right_logical3A_163 = vector.broadcast %shift_right_logical3A_162 : i32 to vector<16xi32>
          %shift_right_logical3A_164 = arith.shrui %xor3A_157, %shift_right_logical3A_163 : vector<16xi32>
          %or3A_165 = arith.ori %shift_left3A_161, %shift_right_logical3A_164 : vector<16xi32>
          %xor3A_166 = arith.xori %or3A_165, %add3A_158 : vector<16xi32>
          %add3A_167 = arith.addi %add3A_158, %xor3A_166 : vector<16xi32>
          %shift_left3A_168 = arith.constant 6 : i32
          %shift_left3A_169 = vector.broadcast %shift_left3A_168 : i32 to vector<16xi32>
          %shift_left3A_170 = arith.shli %xor3A_166, %shift_left3A_169 : vector<16xi32>
          %shift_right_logical3A_171 = arith.constant 26 : i32
          %shift_right_logical3A_172 = vector.broadcast %shift_right_logical3A_171 : i32 to vector<16xi32>
          %shift_right_logical3A_173 = arith.shrui %xor3A_166, %shift_right_logical3A_172 : vector<16xi32>
          %or3A_174 = arith.ori %shift_left3A_170, %shift_right_logical3A_173 : vector<16xi32>
          %xor3A_175 = arith.xori %or3A_174, %add3A_167 : vector<16xi32>
          %add3A_176 = arith.constant 0 : i32
          %add3A_177 = vector.broadcast %add3A_176 : i32 to vector<16xi32>
          %add3A_178 = arith.addi %add3A_167, %add3A_177 : vector<16xi32>
          %add3A_179 = arith.constant 45 : i32
          %add3A_180 = vector.broadcast %add3A_179 : i32 to vector<16xi32>
          %add3A_181 = arith.addi %xor3A_175, %add3A_180 : vector<16xi32>
          %add3A_182 = arith.addi %add3A_178, %add3A_181 : vector<16xi32>
          %shift_left3A_183 = arith.constant 17 : i32
          %shift_left3A_184 = vector.broadcast %shift_left3A_183 : i32 to vector<16xi32>
          %shift_left3A_185 = arith.shli %add3A_181, %shift_left3A_184 : vector<16xi32>
          %shift_right_logical3A_186 = arith.constant 15 : i32
          %shift_right_logical3A_187 = vector.broadcast %shift_right_logical3A_186 : i32 to vector<16xi32>
          %shift_right_logical3A_188 = arith.shrui %add3A_181, %shift_right_logical3A_187 : vector<16xi32>
          %or3A_189 = arith.ori %shift_left3A_185, %shift_right_logical3A_188 : vector<16xi32>
          %xor3A_190 = arith.xori %or3A_189, %add3A_182 : vector<16xi32>
          %add3A_191 = arith.addi %add3A_182, %xor3A_190 : vector<16xi32>
          %shift_left3A_192 = arith.constant 29 : i32
          %shift_left3A_193 = vector.broadcast %shift_left3A_192 : i32 to vector<16xi32>
          %shift_left3A_194 = arith.shli %xor3A_190, %shift_left3A_193 : vector<16xi32>
          %shift_right_logical3A_195 = arith.constant 3 : i32
          %shift_right_logical3A_196 = vector.broadcast %shift_right_logical3A_195 : i32 to vector<16xi32>
          %shift_right_logical3A_197 = arith.shrui %xor3A_190, %shift_right_logical3A_196 : vector<16xi32>
          %or3A_198 = arith.ori %shift_left3A_194, %shift_right_logical3A_197 : vector<16xi32>
          %xor3A_199 = arith.xori %or3A_198, %add3A_191 : vector<16xi32>
          %add3A_200 = arith.addi %add3A_191, %xor3A_199 : vector<16xi32>
          %shift_left3A_201 = arith.constant 16 : i32
          %shift_left3A_202 = vector.broadcast %shift_left3A_201 : i32 to vector<16xi32>
          %shift_left3A_203 = arith.shli %xor3A_199, %shift_left3A_202 : vector<16xi32>
          %shift_right_logical3A_204 = arith.constant 16 : i32
          %shift_right_logical3A_205 = vector.broadcast %shift_right_logical3A_204 : i32 to vector<16xi32>
          %shift_right_logical3A_206 = arith.shrui %xor3A_199, %shift_right_logical3A_205 : vector<16xi32>
          %or3A_207 = arith.ori %shift_left3A_203, %shift_right_logical3A_206 : vector<16xi32>
          %xor3A_208 = arith.xori %or3A_207, %add3A_200 : vector<16xi32>
          %add3A_209 = arith.addi %add3A_200, %xor3A_208 : vector<16xi32>
          %shift_left3A_210 = arith.constant 24 : i32
          %shift_left3A_211 = vector.broadcast %shift_left3A_210 : i32 to vector<16xi32>
          %shift_left3A_212 = arith.shli %xor3A_208, %shift_left3A_211 : vector<16xi32>
          %shift_right_logical3A_213 = arith.constant 8 : i32
          %shift_right_logical3A_214 = vector.broadcast %shift_right_logical3A_213 : i32 to vector<16xi32>
          %shift_right_logical3A_215 = arith.shrui %xor3A_208, %shift_right_logical3A_214 : vector<16xi32>
          %or3A_216 = arith.ori %shift_left3A_212, %shift_right_logical3A_215 : vector<16xi32>
          %xor3A_217 = arith.xori %or3A_216, %add3A_209 : vector<16xi32>
          %add3A_218 = arith.constant 42 : i32
          %add3A_219 = vector.broadcast %add3A_218 : i32 to vector<16xi32>
          %add3A_220 = arith.addi %add3A_209, %add3A_219 : vector<16xi32>
          %add3A_221 = arith.constant 466689012 : i32
          %add3A_222 = vector.broadcast %add3A_221 : i32 to vector<16xi32>
          %add3A_223 = arith.addi %xor3A_217, %add3A_222 : vector<16xi32>
          %add3A_224 = arith.addi %add3A_220, %add3A_223 : vector<16xi32>
          %shift_left3A_225 = arith.constant 13 : i32
          %shift_left3A_226 = vector.broadcast %shift_left3A_225 : i32 to vector<16xi32>
          %shift_left3A_227 = arith.shli %add3A_223, %shift_left3A_226 : vector<16xi32>
          %shift_right_logical3A_228 = arith.constant 19 : i32
          %shift_right_logical3A_229 = vector.broadcast %shift_right_logical3A_228 : i32 to vector<16xi32>
          %shift_right_logical3A_230 = arith.shrui %add3A_223, %shift_right_logical3A_229 : vector<16xi32>
          %or3A_231 = arith.ori %shift_left3A_227, %shift_right_logical3A_230 : vector<16xi32>
          %xor3A_232 = arith.xori %or3A_231, %add3A_224 : vector<16xi32>
          %add3A_233 = arith.addi %add3A_224, %xor3A_232 : vector<16xi32>
          %shift_left3A_234 = arith.constant 15 : i32
          %shift_left3A_235 = vector.broadcast %shift_left3A_234 : i32 to vector<16xi32>
          %shift_left3A_236 = arith.shli %xor3A_232, %shift_left3A_235 : vector<16xi32>
          %shift_right_logical3A_237 = arith.constant 17 : i32
          %shift_right_logical3A_238 = vector.broadcast %shift_right_logical3A_237 : i32 to vector<16xi32>
          %shift_right_logical3A_239 = arith.shrui %xor3A_232, %shift_right_logical3A_238 : vector<16xi32>
          %or3A_240 = arith.ori %shift_left3A_236, %shift_right_logical3A_239 : vector<16xi32>
          %xor3A_241 = arith.xori %or3A_240, %add3A_233 : vector<16xi32>
          %add3A_242 = arith.addi %add3A_233, %xor3A_241 : vector<16xi32>
          %shift_left3A_243 = arith.constant 26 : i32
          %shift_left3A_244 = vector.broadcast %shift_left3A_243 : i32 to vector<16xi32>
          %shift_left3A_245 = arith.shli %xor3A_241, %shift_left3A_244 : vector<16xi32>
          %shift_right_logical3A_246 = arith.constant 6 : i32
          %shift_right_logical3A_247 = vector.broadcast %shift_right_logical3A_246 : i32 to vector<16xi32>
          %shift_right_logical3A_248 = arith.shrui %xor3A_241, %shift_right_logical3A_247 : vector<16xi32>
          %or3A_249 = arith.ori %shift_left3A_245, %shift_right_logical3A_248 : vector<16xi32>
          %xor3A_250 = arith.xori %or3A_249, %add3A_242 : vector<16xi32>
          %add3A_251 = arith.addi %add3A_242, %xor3A_250 : vector<16xi32>
          %shift_left3A_252 = arith.constant 6 : i32
          %shift_left3A_253 = vector.broadcast %shift_left3A_252 : i32 to vector<16xi32>
          %shift_left3A_254 = arith.shli %xor3A_250, %shift_left3A_253 : vector<16xi32>
          %shift_right_logical3A_255 = arith.constant 26 : i32
          %shift_right_logical3A_256 = vector.broadcast %shift_right_logical3A_255 : i32 to vector<16xi32>
          %shift_right_logical3A_257 = arith.shrui %xor3A_250, %shift_right_logical3A_256 : vector<16xi32>
          %or3A_258 = arith.ori %shift_left3A_254, %shift_right_logical3A_257 : vector<16xi32>
          %xor3A_259 = arith.xori %or3A_258, %add3A_251 : vector<16xi32>
          %add3A_260 = arith.constant 466689008 : i32
          %add3A_261 = vector.broadcast %add3A_260 : i32 to vector<16xi32>
          %add3A_262 = arith.addi %add3A_251, %add3A_261 : vector<16xi32>
          %add3A_263 = arith.constant 5 : i32
          %add3A_264 = vector.broadcast %add3A_263 : i32 to vector<16xi32>
          %add3A_265 = arith.addi %xor3A_259, %add3A_264 : vector<16xi32>
          %xor3A_266 = arith.xori %add3A_262, %add3A_265 : vector<16xi32>
          %shift_right_logical3A_267 = arith.constant 9 : i32
          %shift_right_logical3A_268 = vector.broadcast %shift_right_logical3A_267 : i32 to vector<16xi32>
          %shift_right_logical3A_269 = arith.shrui %xor3A_266, %shift_right_logical3A_268 : vector<16xi32>
          %or3A_270 = arith.constant 1065353216 : i32
          %or3A_271 = vector.broadcast %or3A_270 : i32 to vector<16xi32>
          %or3A_272 = arith.ori %shift_right_logical3A_269, %or3A_271 : vector<16xi32>
          %bitcast_convert_type3A = tpu.bitcast %or3A_272 : vector<16xi32> -> vector<16xf32>
          %sub3A_273 = arith.constant 1.000000e+00 : f32
          %sub3A_274 = vector.broadcast %sub3A_273 : f32 to vector<16xf32>
          %sub3A_275 = arith.subf %bitcast_convert_type3A, %sub3A_274 : vector<16xf32>
          %mul3A_276 = arith.constant 0.999997973 : f32
          %mul3A_277 = vector.broadcast %mul3A_276 : f32 to vector<16xf32>
          %mul3A_278 = arith.mulf %sub3A_275, %mul3A_277 : vector<16xf32>
          %add3A_279 = arith.constant 9.99999997E-7 : f32
          %add3A_280 = vector.broadcast %add3A_279 : f32 to vector<16xf32>
          %add3A_281 = arith.addf %mul3A_278, %add3A_280 : vector<16xf32>
          %max3A = arith.constant 9.99999997E-7 : f32
          %max3A_282 = vector.broadcast %max3A : f32 to vector<16xf32>
          %max3A_283 = arith.maximumf %max3A_282, %add3A_281 : vector<16xf32>
          %mul3A_284 = arith.constant 16 : i32
          %mul3A_285 = arith.muli %add3A_44, %mul3A_284 : i32
          %get3A_286 = arith.index_cast %add3A_24 : i32 to index
          %get3A_287 = arith.index_cast %mul3A_285 : i32 to index
          %get3A_288 = tpu.vector_load %arg6[%get3A_286, %get3A_287] {strides = array<i32>} : memref<16x512xf32, #tpu.memory_space<vmem>>, vector<1x16xf32>,
          %get3A_289 = vector.shape_cast %get3A_288 : vector<1x16xf32> to vector<16xf32>
          %sub3A_290 = arith.constant 1.000000e+00 : f32
          %sub3A_291 = vector.broadcast %sub3A_290 : f32 to vector<16xf32>
          %sub3A_292 = arith.subf %sub3A_291, %max3A_283 : vector<16xf32>
          %neg3A = arith.constant 0.000000e+00 : f32
          %neg3A_293 = vector.broadcast %neg3A : f32 to vector<16xf32>
          %neg3A_294 = arith.subf %neg3A_293, %get3A_289 : vector<16xf32>
          %exp3A = math.exp %neg3A_294 : vector<16xf32>
          %mul3A_295 = arith.mulf %sub3A_292, %exp3A : vector<16xf32>
          %add3A_296 = arith.addf %max3A_283, %mul3A_295 : vector<16xf32>
          %div3A = arith.divf %max3A_283, %add3A_296 : vector<16xf32>
          %ne3A = arith.cmpi ne, %add3A_48, %broadcast_in_dim3A_32 : vector<16xi32>
          %jit3A = arith.constant 0.000000e+00 : f32
          %broadcast_in_dim3A_297 = vector.broadcast %jit3A : f32 to vector<16xf32>
          %select_n3A = arith.select %ne3A, %div3A, %broadcast_in_dim3A_297 : vector<16xi1>, vector<16xf32>
          %lt3A = arith.cmpi slt, %add3A_48, %broadcast_in_dim3A : vector<16xi32>
          %jit3A_298 = arith.constant 0.000000e+00 : f32
          %broadcast_in_dim3A_299 = vector.broadcast %jit3A_298 : f32 to vector<16xf32>
          %select_n3A_300 = arith.select %lt3A, %select_n3A, %broadcast_in_dim3A_299 : vector<16xi1>, vector<16xf32>
          %mul3A_301 = arith.constant 16 : i32
          %mul3A_302 = arith.muli %add3A_44, %mul3A_301 : i32
          %swap3A = arith.index_cast %add3A_24 : i32 to index
          %swap3A_303 = arith.index_cast %mul3A_302 : i32 to index
          %swap3A_304 = tpu.vector_load %arg7[%swap3A, %swap3A_303] {strides = array<i32>} : memref<16x512xf32, #tpu.memory_space<vmem>>, vector<1x16xf32>,
          %swap3A_305 = vector.shape_cast %swap3A_304 : vector<1x16xf32> to vector<16xf32>
          %swap3A_306 = vector.shape_cast %select_n3A_300 : vector<16xf32> to vector<1x16xf32>
          tpu.vector_store %arg7[%swap3A, %swap3A_303], %swap3A_306 {strides = array<i32>} : memref<16x512xf32, #tpu.memory_space<vmem>>, vector<1x16xf32>,
        }
        %scan3A_39 = arith.constant 32 : i32
      }
      %scan3A_19 = arith.constant 16 : i32
      "tpu.region"() ({
        %run_scoped3A = tpu.sem_alloc : memref<!tpu.dma_semaphore, #tpu.memory_space<semaphore_mem>>
        %dma_start3A = arith.constant 0 : i32
        %dma_start3A_20 = tpu.memref_slice %arg4[%add3A_14, %dma_start3A] : memref<1024x512xf32, #tpu.memory_space<hbm>> -> memref<16x512xf32, #tpu.memory_space<hbm>>
        %dma_start3A_21 = arith.constant 0 : i32
        %dma_start3A_22 = tpu.memref_slice %arg4[%add3A_14, %dma_start3A_21] : memref<1024x512xf32, #tpu.memory_space<hbm>> -> memref<16x512xf32, #tpu.memory_space<hbm>>
        tpu.enqueue_dma source(%arg7 : memref<16x512xf32, #tpu.memory_space<vmem>>) target(%dma_start3A_22 : memref<16x512xf32, #tpu.memory_space<hbm>>) target_semaphore(%run_scoped3A : memref<!tpu.dma_semaphore, #tpu.memory_space<semaphore_mem>>)
        %dma_wait3A = arith.constant 0 : i32
        %dma_wait3A_23 = tpu.memref_slice %arg4[%add3A_14, %dma_wait3A] : memref<1024x512xf32, #tpu.memory_space<hbm>> -> memref<16x512xf32, #tpu.memory_space<hbm>>
        %dma_wait3A_24 = arith.constant 0 : i32
        %dma_wait3A_25 = tpu.memref_slice %arg4[%add3A_14, %dma_wait3A_24] : memref<1024x512xf32, #tpu.memory_space<hbm>> -> memref<16x512xf32, #tpu.memory_space<hbm>>
        tpu.wait_dma2 semaphore(%run_scoped3A : memref<!tpu.dma_semaphore, #tpu.memory_space<semaphore_mem>>) src(%arg7 : memref<16x512xf32, #tpu.memory_space<vmem>>) dst(%dma_wait3A_25 : memref<16x512xf32, #tpu.memory_space<hbm>>)
        tpu.yield
      }) : () -> ()
    }
    %scan3A_6 = arith.constant 2 : i32
    return
  }
}

module attributes {stable_mosaic.version = 14 : i64} {
  func.func @_tc_body(%arg0: i32, %arg1: memref<16xi32, #tpu.memory_space<smem>>, %arg2: memref<1x512x512xf32, #tpu.memory_space<vmem>>, %arg3: memref<1x512x512xf32, #tpu.memory_space<vmem>>) attributes {dimension_semantics = [#tpu.dimension_semantics<arbitrary>], iteration_bounds = array<i64: 14>, scalar_prefetch = 0 : i64, scratch_operands = 0 : i64, tpu.core_type = #tpu.core_type<tc>, window_params = [{transform_indices = @transform_0, window_bounds = array<i64: 16>}, {transform_indices = @transform_1, window_bounds = array<i64: 1, 512, 512>}, {transform_indices = @transform_2, window_bounds = array<i64: 1, 512, 512>}]} {
    %add3A = arith.constant 2 : i32
    %add3A_0 = arith.addi %arg0, %add3A : i32
    %get3A = arith.index_cast %add3A_0 : i32 to index
    %get3A_1 = memref.load %arg1[%get3A] : memref<16xi32, #tpu.memory_space<smem>>
    %add3A_2 = arith.constant 63 : i32
    %add3A_3 = arith.addi %get3A_1, %add3A_2 : i32
    %div3A = arith.constant 64 : i32
    %div3A_4 = arith.divsi %add3A_3, %div3A : i32
    %sub3A = arith.constant 0 : i32
    %sub3A_5 = arith.subi %div3A_4, %sub3A : i32
    %sub3A_6 = arith.constant 1 : i32
    %sub3A_7 = arith.constant 1 : i32
    %sub3A_8 = arith.subi %sub3A_6, %sub3A_7 : i32
    %add3A_9 = arith.addi %sub3A_5, %sub3A_8 : i32
    %div3A_10 = arith.constant 1 : i32
    %div3A_11 = arith.divsi %add3A_9, %div3A_10 : i32
    %while3A = arith.constant 1 : i32
    %while3A_12 = arith.constant 0 : i32
    %while3A_13 = arith.constant 0 : i32
    %while3A_14 = arith.subi %div3A_11, %while3A_13 : i32
    %while3A_15 = arith.addi %while3A_13, %while3A_14 : i32
    %while3A_16 = arith.constant 1 : i32
    %while3A_17 = arith.divsi %while3A_14, %while3A_16 : i32
    %while3A_18 = arith.muli %while3A_17, %while3A_16 : i32
    %while3A_19 = arith.addi %while3A_13, %while3A_18 : i32
    %while3A_20 = arith.constant 1 : i32
    scf.for %while3A_40 = %while3A_13 to %while3A_19 step %while3A_20  : i32 {
      %mul3A = arith.muli %while3A_40, %while3A : i32
      %add3A_41 = arith.addi %while3A_12, %mul3A : i32
      %mul3A_42 = arith.constant 64 : i32
      %mul3A_43 = arith.muli %add3A_41, %mul3A_42 : i32
      %iota3A = tpu.iota {dimensions = array<i32: 0>} : vector<64x512xi32>
      %add3A_44 = vector.broadcast %mul3A_43 : i32 to vector<64x512xi32>
      %add3A_45 = arith.addi %add3A_44, %iota3A : vector<64x512xi32>
      %iota3A_46 = tpu.iota {dimensions = array<i32: 1>} : vector<64x512xi32>
      %get3A_47 = arith.constant 0 : index
      %get3A_48 = arith.index_cast %mul3A_43 : i32 to index
      %get3A_49 = arith.constant 0 : index
      %get3A_50 = vector.load %arg2[%get3A_47, %get3A_48, %get3A_49] : memref<1x512x512xf32, #tpu.memory_space<vmem>>, vector<1x64x512xf32>
      %get3A_51 = vector.shape_cast %get3A_50 : vector<1x64x512xf32> to vector<64x512xf32>
      %mul3A_52 = arith.constant 262144 : i32
      %mul3A_53 = arith.muli %add3A_0, %mul3A_52 : i32
      %mul3A_54 = arith.constant 512 : i32
      %mul3A_55 = vector.broadcast %mul3A_54 : i32 to vector<64x512xi32>
      %mul3A_56 = arith.muli %add3A_45, %mul3A_55 : vector<64x512xi32>
      %add3A_57 = vector.broadcast %mul3A_53 : i32 to vector<64x512xi32>
      %add3A_58 = arith.addi %add3A_57, %mul3A_56 : vector<64x512xi32>
      %add3A_59 = arith.addi %add3A_58, %iota3A_46 : vector<64x512xi32>
      %broadcast_in_dim3A = arith.constant 0 : i32
      %broadcast_in_dim3A_60 = vector.broadcast %broadcast_in_dim3A : i32 to vector<64x512xi32>
      %add3A_61 = arith.constant 0 : i32
      %add3A_62 = vector.broadcast %add3A_61 : i32 to vector<64x512xi32>
      %add3A_63 = arith.addi %broadcast_in_dim3A_60, %add3A_62 : vector<64x512xi32>
      %add3A_64 = arith.constant 42 : i32
      %add3A_65 = vector.broadcast %add3A_64 : i32 to vector<64x512xi32>
      %add3A_66 = arith.addi %add3A_59, %add3A_65 : vector<64x512xi32>
      %add3A_67 = arith.addi %add3A_63, %add3A_66 : vector<64x512xi32>
      %shift_left3A = arith.constant 13 : i32
      %shift_left3A_68 = vector.broadcast %shift_left3A : i32 to vector<64x512xi32>
      %shift_left3A_69 = arith.shli %add3A_66, %shift_left3A_68 : vector<64x512xi32>
      %shift_right_logical3A = arith.constant 19 : i32
      %shift_right_logical3A_70 = vector.broadcast %shift_right_logical3A : i32 to vector<64x512xi32>
      %shift_right_logical3A_71 = arith.shrui %add3A_66, %shift_right_logical3A_70 : vector<64x512xi32>
      %or3A = arith.ori %shift_left3A_69, %shift_right_logical3A_71 : vector<64x512xi32>
      %xor3A = arith.xori %or3A, %add3A_67 : vector<64x512xi32>
      %add3A_72 = arith.addi %add3A_67, %xor3A : vector<64x512xi32>
      %shift_left3A_73 = arith.constant 15 : i32
      %shift_left3A_74 = vector.broadcast %shift_left3A_73 : i32 to vector<64x512xi32>
      %shift_left3A_75 = arith.shli %xor3A, %shift_left3A_74 : vector<64x512xi32>
      %shift_right_logical3A_76 = arith.constant 17 : i32
      %shift_right_logical3A_77 = vector.broadcast %shift_right_logical3A_76 : i32 to vector<64x512xi32>
      %shift_right_logical3A_78 = arith.shrui %xor3A, %shift_right_logical3A_77 : vector<64x512xi32>
      %or3A_79 = arith.ori %shift_left3A_75, %shift_right_logical3A_78 : vector<64x512xi32>
      %xor3A_80 = arith.xori %or3A_79, %add3A_72 : vector<64x512xi32>
      %add3A_81 = arith.addi %add3A_72, %xor3A_80 : vector<64x512xi32>
      %shift_left3A_82 = arith.constant 26 : i32
      %shift_left3A_83 = vector.broadcast %shift_left3A_82 : i32 to vector<64x512xi32>
      %shift_left3A_84 = arith.shli %xor3A_80, %shift_left3A_83 : vector<64x512xi32>
      %shift_right_logical3A_85 = arith.constant 6 : i32
      %shift_right_logical3A_86 = vector.broadcast %shift_right_logical3A_85 : i32 to vector<64x512xi32>
      %shift_right_logical3A_87 = arith.shrui %xor3A_80, %shift_right_logical3A_86 : vector<64x512xi32>
      %or3A_88 = arith.ori %shift_left3A_84, %shift_right_logical3A_87 : vector<64x512xi32>
      %xor3A_89 = arith.xori %or3A_88, %add3A_81 : vector<64x512xi32>
      %add3A_90 = arith.addi %add3A_81, %xor3A_89 : vector<64x512xi32>
      %shift_left3A_91 = arith.constant 6 : i32
      %shift_left3A_92 = vector.broadcast %shift_left3A_91 : i32 to vector<64x512xi32>
      %shift_left3A_93 = arith.shli %xor3A_89, %shift_left3A_92 : vector<64x512xi32>
      %shift_right_logical3A_94 = arith.constant 26 : i32
      %shift_right_logical3A_95 = vector.broadcast %shift_right_logical3A_94 : i32 to vector<64x512xi32>
      %shift_right_logical3A_96 = arith.shrui %xor3A_89, %shift_right_logical3A_95 : vector<64x512xi32>
      %or3A_97 = arith.ori %shift_left3A_93, %shift_right_logical3A_96 : vector<64x512xi32>
      %xor3A_98 = arith.xori %or3A_97, %add3A_90 : vector<64x512xi32>
      %add3A_99 = arith.constant 42 : i32
      %add3A_100 = vector.broadcast %add3A_99 : i32 to vector<64x512xi32>
      %add3A_101 = arith.addi %add3A_90, %add3A_100 : vector<64x512xi32>
      %add3A_102 = arith.constant 466689009 : i32
      %add3A_103 = vector.broadcast %add3A_102 : i32 to vector<64x512xi32>
      %add3A_104 = arith.addi %xor3A_98, %add3A_103 : vector<64x512xi32>
      %add3A_105 = arith.addi %add3A_101, %add3A_104 : vector<64x512xi32>
      %shift_left3A_106 = arith.constant 17 : i32
      %shift_left3A_107 = vector.broadcast %shift_left3A_106 : i32 to vector<64x512xi32>
      %shift_left3A_108 = arith.shli %add3A_104, %shift_left3A_107 : vector<64x512xi32>
      %shift_right_logical3A_109 = arith.constant 15 : i32
      %shift_right_logical3A_110 = vector.broadcast %shift_right_logical3A_109 : i32 to vector<64x512xi32>
      %shift_right_logical3A_111 = arith.shrui %add3A_104, %shift_right_logical3A_110 : vector<64x512xi32>
      %or3A_112 = arith.ori %shift_left3A_108, %shift_right_logical3A_111 : vector<64x512xi32>
      %xor3A_113 = arith.xori %or3A_112, %add3A_105 : vector<64x512xi32>
      %add3A_114 = arith.addi %add3A_105, %xor3A_113 : vector<64x512xi32>
      %shift_left3A_115 = arith.constant 29 : i32
      %shift_left3A_116 = vector.broadcast %shift_left3A_115 : i32 to vector<64x512xi32>
      %shift_left3A_117 = arith.shli %xor3A_113, %shift_left3A_116 : vector<64x512xi32>
      %shift_right_logical3A_118 = arith.constant 3 : i32
      %shift_right_logical3A_119 = vector.broadcast %shift_right_logical3A_118 : i32 to vector<64x512xi32>
      %shift_right_logical3A_120 = arith.shrui %xor3A_113, %shift_right_logical3A_119 : vector<64x512xi32>
      %or3A_121 = arith.ori %shift_left3A_117, %shift_right_logical3A_120 : vector<64x512xi32>
      %xor3A_122 = arith.xori %or3A_121, %add3A_114 : vector<64x512xi32>
      %add3A_123 = arith.addi %add3A_114, %xor3A_122 : vector<64x512xi32>
      %shift_left3A_124 = arith.constant 16 : i32
      %shift_left3A_125 = vector.broadcast %shift_left3A_124 : i32 to vector<64x512xi32>
      %shift_left3A_126 = arith.shli %xor3A_122, %shift_left3A_125 : vector<64x512xi32>
      %shift_right_logical3A_127 = arith.constant 16 : i32
      %shift_right_logical3A_128 = vector.broadcast %shift_right_logical3A_127 : i32 to vector<64x512xi32>
      %shift_right_logical3A_129 = arith.shrui %xor3A_122, %shift_right_logical3A_128 : vector<64x512xi32>
      %or3A_130 = arith.ori %shift_left3A_126, %shift_right_logical3A_129 : vector<64x512xi32>
      %xor3A_131 = arith.xori %or3A_130, %add3A_123 : vector<64x512xi32>
      %add3A_132 = arith.addi %add3A_123, %xor3A_131 : vector<64x512xi32>
      %shift_left3A_133 = arith.constant 24 : i32
      %shift_left3A_134 = vector.broadcast %shift_left3A_133 : i32 to vector<64x512xi32>
      %shift_left3A_135 = arith.shli %xor3A_131, %shift_left3A_134 : vector<64x512xi32>
      %shift_right_logical3A_136 = arith.constant 8 : i32
      %shift_right_logical3A_137 = vector.broadcast %shift_right_logical3A_136 : i32 to vector<64x512xi32>
      %shift_right_logical3A_138 = arith.shrui %xor3A_131, %shift_right_logical3A_137 : vector<64x512xi32>
      %or3A_139 = arith.ori %shift_left3A_135, %shift_right_logical3A_138 : vector<64x512xi32>
      %xor3A_140 = arith.xori %or3A_139, %add3A_132 : vector<64x512xi32>
      %add3A_141 = arith.constant 466689008 : i32
      %add3A_142 = vector.broadcast %add3A_141 : i32 to vector<64x512xi32>
      %add3A_143 = arith.addi %add3A_132, %add3A_142 : vector<64x512xi32>
      %add3A_144 = arith.constant 2 : i32
      %add3A_145 = vector.broadcast %add3A_144 : i32 to vector<64x512xi32>
      %add3A_146 = arith.addi %xor3A_140, %add3A_145 : vector<64x512xi32>
      %add3A_147 = arith.addi %add3A_143, %add3A_146 : vector<64x512xi32>
      %shift_left3A_148 = arith.constant 13 : i32
      %shift_left3A_149 = vector.broadcast %shift_left3A_148 : i32 to vector<64x512xi32>
      %shift_left3A_150 = arith.shli %add3A_146, %shift_left3A_149 : vector<64x512xi32>
      %shift_right_logical3A_151 = arith.constant 19 : i32
      %shift_right_logical3A_152 = vector.broadcast %shift_right_logical3A_151 : i32 to vector<64x512xi32>
      %shift_right_logical3A_153 = arith.shrui %add3A_146, %shift_right_logical3A_152 : vector<64x512xi32>
      %or3A_154 = arith.ori %shift_left3A_150, %shift_right_logical3A_153 : vector<64x512xi32>
      %xor3A_155 = arith.xori %or3A_154, %add3A_147 : vector<64x512xi32>
      %add3A_156 = arith.addi %add3A_147, %xor3A_155 : vector<64x512xi32>
      %shift_left3A_157 = arith.constant 15 : i32
      %shift_left3A_158 = vector.broadcast %shift_left3A_157 : i32 to vector<64x512xi32>
      %shift_left3A_159 = arith.shli %xor3A_155, %shift_left3A_158 : vector<64x512xi32>
      %shift_right_logical3A_160 = arith.constant 17 : i32
      %shift_right_logical3A_161 = vector.broadcast %shift_right_logical3A_160 : i32 to vector<64x512xi32>
      %shift_right_logical3A_162 = arith.shrui %xor3A_155, %shift_right_logical3A_161 : vector<64x512xi32>
      %or3A_163 = arith.ori %shift_left3A_159, %shift_right_logical3A_162 : vector<64x512xi32>
      %xor3A_164 = arith.xori %or3A_163, %add3A_156 : vector<64x512xi32>
      %add3A_165 = arith.addi %add3A_156, %xor3A_164 : vector<64x512xi32>
      %shift_left3A_166 = arith.constant 26 : i32
      %shift_left3A_167 = vector.broadcast %shift_left3A_166 : i32 to vector<64x512xi32>
      %shift_left3A_168 = arith.shli %xor3A_164, %shift_left3A_167 : vector<64x512xi32>
      %shift_right_logical3A_169 = arith.constant 6 : i32
      %shift_right_logical3A_170 = vector.broadcast %shift_right_logical3A_169 : i32 to vector<64x512xi32>
      %shift_right_logical3A_171 = arith.shrui %xor3A_164, %shift_right_logical3A_170 : vector<64x512xi32>
      %or3A_172 = arith.ori %shift_left3A_168, %shift_right_logical3A_171 : vector<64x512xi32>
      %xor3A_173 = arith.xori %or3A_172, %add3A_165 : vector<64x512xi32>
      %add3A_174 = arith.addi %add3A_165, %xor3A_173 : vector<64x512xi32>
      %shift_left3A_175 = arith.constant 6 : i32
      %shift_left3A_176 = vector.broadcast %shift_left3A_175 : i32 to vector<64x512xi32>
      %shift_left3A_177 = arith.shli %xor3A_173, %shift_left3A_176 : vector<64x512xi32>
      %shift_right_logical3A_178 = arith.constant 26 : i32
      %shift_right_logical3A_179 = vector.broadcast %shift_right_logical3A_178 : i32 to vector<64x512xi32>
      %shift_right_logical3A_180 = arith.shrui %xor3A_173, %shift_right_logical3A_179 : vector<64x512xi32>
      %or3A_181 = arith.ori %shift_left3A_177, %shift_right_logical3A_180 : vector<64x512xi32>
      %xor3A_182 = arith.xori %or3A_181, %add3A_174 : vector<64x512xi32>
      %add3A_183 = arith.constant 0 : i32
      %add3A_184 = vector.broadcast %add3A_183 : i32 to vector<64x512xi32>
      %add3A_185 = arith.addi %add3A_174, %add3A_184 : vector<64x512xi32>
      %add3A_186 = arith.constant 45 : i32
      %add3A_187 = vector.broadcast %add3A_186 : i32 to vector<64x512xi32>
      %add3A_188 = arith.addi %xor3A_182, %add3A_187 : vector<64x512xi32>
      %add3A_189 = arith.addi %add3A_185, %add3A_188 : vector<64x512xi32>
      %shift_left3A_190 = arith.constant 17 : i32
      %shift_left3A_191 = vector.broadcast %shift_left3A_190 : i32 to vector<64x512xi32>
      %shift_left3A_192 = arith.shli %add3A_188, %shift_left3A_191 : vector<64x512xi32>
      %shift_right_logical3A_193 = arith.constant 15 : i32
      %shift_right_logical3A_194 = vector.broadcast %shift_right_logical3A_193 : i32 to vector<64x512xi32>
      %shift_right_logical3A_195 = arith.shrui %add3A_188, %shift_right_logical3A_194 : vector<64x512xi32>
      %or3A_196 = arith.ori %shift_left3A_192, %shift_right_logical3A_195 : vector<64x512xi32>
      %xor3A_197 = arith.xori %or3A_196, %add3A_189 : vector<64x512xi32>
      %add3A_198 = arith.addi %add3A_189, %xor3A_197 : vector<64x512xi32>
      %shift_left3A_199 = arith.constant 29 : i32
      %shift_left3A_200 = vector.broadcast %shift_left3A_199 : i32 to vector<64x512xi32>
      %shift_left3A_201 = arith.shli %xor3A_197, %shift_left3A_200 : vector<64x512xi32>
      %shift_right_logical3A_202 = arith.constant 3 : i32
      %shift_right_logical3A_203 = vector.broadcast %shift_right_logical3A_202 : i32 to vector<64x512xi32>
      %shift_right_logical3A_204 = arith.shrui %xor3A_197, %shift_right_logical3A_203 : vector<64x512xi32>
      %or3A_205 = arith.ori %shift_left3A_201, %shift_right_logical3A_204 : vector<64x512xi32>
      %xor3A_206 = arith.xori %or3A_205, %add3A_198 : vector<64x512xi32>
      %add3A_207 = arith.addi %add3A_198, %xor3A_206 : vector<64x512xi32>
      %shift_left3A_208 = arith.constant 16 : i32
      %shift_left3A_209 = vector.broadcast %shift_left3A_208 : i32 to vector<64x512xi32>
      %shift_left3A_210 = arith.shli %xor3A_206, %shift_left3A_209 : vector<64x512xi32>
      %shift_right_logical3A_211 = arith.constant 16 : i32
      %shift_right_logical3A_212 = vector.broadcast %shift_right_logical3A_211 : i32 to vector<64x512xi32>
      %shift_right_logical3A_213 = arith.shrui %xor3A_206, %shift_right_logical3A_212 : vector<64x512xi32>
      %or3A_214 = arith.ori %shift_left3A_210, %shift_right_logical3A_213 : vector<64x512xi32>
      %xor3A_215 = arith.xori %or3A_214, %add3A_207 : vector<64x512xi32>
      %add3A_216 = arith.addi %add3A_207, %xor3A_215 : vector<64x512xi32>
      %shift_left3A_217 = arith.constant 24 : i32
      %shift_left3A_218 = vector.broadcast %shift_left3A_217 : i32 to vector<64x512xi32>
      %shift_left3A_219 = arith.shli %xor3A_215, %shift_left3A_218 : vector<64x512xi32>
      %shift_right_logical3A_220 = arith.constant 8 : i32
      %shift_right_logical3A_221 = vector.broadcast %shift_right_logical3A_220 : i32 to vector<64x512xi32>
      %shift_right_logical3A_222 = arith.shrui %xor3A_215, %shift_right_logical3A_221 : vector<64x512xi32>
      %or3A_223 = arith.ori %shift_left3A_219, %shift_right_logical3A_222 : vector<64x512xi32>
      %xor3A_224 = arith.xori %or3A_223, %add3A_216 : vector<64x512xi32>
      %add3A_225 = arith.constant 42 : i32
      %add3A_226 = vector.broadcast %add3A_225 : i32 to vector<64x512xi32>
      %add3A_227 = arith.addi %add3A_216, %add3A_226 : vector<64x512xi32>
      %add3A_228 = arith.constant 466689012 : i32
      %add3A_229 = vector.broadcast %add3A_228 : i32 to vector<64x512xi32>
      %add3A_230 = arith.addi %xor3A_224, %add3A_229 : vector<64x512xi32>
      %add3A_231 = arith.addi %add3A_227, %add3A_230 : vector<64x512xi32>
      %shift_left3A_232 = arith.constant 13 : i32
      %shift_left3A_233 = vector.broadcast %shift_left3A_232 : i32 to vector<64x512xi32>
      %shift_left3A_234 = arith.shli %add3A_230, %shift_left3A_233 : vector<64x512xi32>
      %shift_right_logical3A_235 = arith.constant 19 : i32
      %shift_right_logical3A_236 = vector.broadcast %shift_right_logical3A_235 : i32 to vector<64x512xi32>
      %shift_right_logical3A_237 = arith.shrui %add3A_230, %shift_right_logical3A_236 : vector<64x512xi32>
      %or3A_238 = arith.ori %shift_left3A_234, %shift_right_logical3A_237 : vector<64x512xi32>
      %xor3A_239 = arith.xori %or3A_238, %add3A_231 : vector<64x512xi32>
      %add3A_240 = arith.addi %add3A_231, %xor3A_239 : vector<64x512xi32>
      %shift_left3A_241 = arith.constant 15 : i32
      %shift_left3A_242 = vector.broadcast %shift_left3A_241 : i32 to vector<64x512xi32>
      %shift_left3A_243 = arith.shli %xor3A_239, %shift_left3A_242 : vector<64x512xi32>
      %shift_right_logical3A_244 = arith.constant 17 : i32
      %shift_right_logical3A_245 = vector.broadcast %shift_right_logical3A_244 : i32 to vector<64x512xi32>
      %shift_right_logical3A_246 = arith.shrui %xor3A_239, %shift_right_logical3A_245 : vector<64x512xi32>
      %or3A_247 = arith.ori %shift_left3A_243, %shift_right_logical3A_246 : vector<64x512xi32>
      %xor3A_248 = arith.xori %or3A_247, %add3A_240 : vector<64x512xi32>
      %add3A_249 = arith.addi %add3A_240, %xor3A_248 : vector<64x512xi32>
      %shift_left3A_250 = arith.constant 26 : i32
      %shift_left3A_251 = vector.broadcast %shift_left3A_250 : i32 to vector<64x512xi32>
      %shift_left3A_252 = arith.shli %xor3A_248, %shift_left3A_251 : vector<64x512xi32>
      %shift_right_logical3A_253 = arith.constant 6 : i32
      %shift_right_logical3A_254 = vector.broadcast %shift_right_logical3A_253 : i32 to vector<64x512xi32>
      %shift_right_logical3A_255 = arith.shrui %xor3A_248, %shift_right_logical3A_254 : vector<64x512xi32>
      %or3A_256 = arith.ori %shift_left3A_252, %shift_right_logical3A_255 : vector<64x512xi32>
      %xor3A_257 = arith.xori %or3A_256, %add3A_249 : vector<64x512xi32>
      %add3A_258 = arith.addi %add3A_249, %xor3A_257 : vector<64x512xi32>
      %shift_left3A_259 = arith.constant 6 : i32
      %shift_left3A_260 = vector.broadcast %shift_left3A_259 : i32 to vector<64x512xi32>
      %shift_left3A_261 = arith.shli %xor3A_257, %shift_left3A_260 : vector<64x512xi32>
      %shift_right_logical3A_262 = arith.constant 26 : i32
      %shift_right_logical3A_263 = vector.broadcast %shift_right_logical3A_262 : i32 to vector<64x512xi32>
      %shift_right_logical3A_264 = arith.shrui %xor3A_257, %shift_right_logical3A_263 : vector<64x512xi32>
      %or3A_265 = arith.ori %shift_left3A_261, %shift_right_logical3A_264 : vector<64x512xi32>
      %xor3A_266 = arith.xori %or3A_265, %add3A_258 : vector<64x512xi32>
      %add3A_267 = arith.constant 466689008 : i32
      %add3A_268 = vector.broadcast %add3A_267 : i32 to vector<64x512xi32>
      %add3A_269 = arith.addi %add3A_258, %add3A_268 : vector<64x512xi32>
      %add3A_270 = arith.constant 5 : i32
      %add3A_271 = vector.broadcast %add3A_270 : i32 to vector<64x512xi32>
      %add3A_272 = arith.addi %xor3A_266, %add3A_271 : vector<64x512xi32>
      %xor3A_273 = arith.xori %add3A_269, %add3A_272 : vector<64x512xi32>
      %shift_right_logical3A_274 = arith.constant 9 : i32
      %shift_right_logical3A_275 = vector.broadcast %shift_right_logical3A_274 : i32 to vector<64x512xi32>
      %shift_right_logical3A_276 = arith.shrui %xor3A_273, %shift_right_logical3A_275 : vector<64x512xi32>
      %or3A_277 = arith.constant 1065353216 : i32
      %or3A_278 = vector.broadcast %or3A_277 : i32 to vector<64x512xi32>
      %or3A_279 = arith.ori %shift_right_logical3A_276, %or3A_278 : vector<64x512xi32>
      %bitcast_convert_type3A = tpu.bitcast %or3A_279 : vector<64x512xi32> -> vector<64x512xf32>
      %sub3A_280 = arith.constant 1.000000e+00 : f32
      %sub3A_281 = vector.broadcast %sub3A_280 : f32 to vector<64x512xf32>
      %sub3A_282 = arith.subf %bitcast_convert_type3A, %sub3A_281 : vector<64x512xf32>
      %mul3A_283 = arith.constant 0.999997973 : f32
      %mul3A_284 = vector.broadcast %mul3A_283 : f32 to vector<64x512xf32>
      %mul3A_285 = arith.mulf %sub3A_282, %mul3A_284 : vector<64x512xf32>
      %add3A_286 = arith.constant 9.99999997E-7 : f32
      %add3A_287 = vector.broadcast %add3A_286 : f32 to vector<64x512xf32>
      %add3A_288 = arith.addf %mul3A_285, %add3A_287 : vector<64x512xf32>
      %max3A = arith.constant 9.99999997E-7 : f32
      %max3A_289 = vector.broadcast %max3A : f32 to vector<64x512xf32>
      %max3A_290 = arith.maximumf %max3A_289, %add3A_288 : vector<64x512xf32>
      %sub3A_291 = arith.constant 1.000000e+00 : f32
      %sub3A_292 = vector.broadcast %sub3A_291 : f32 to vector<64x512xf32>
      %sub3A_293 = arith.subf %sub3A_292, %max3A_290 : vector<64x512xf32>
      %neg3A = arith.constant 0.000000e+00 : f32
      %neg3A_294 = vector.broadcast %neg3A : f32 to vector<64x512xf32>
      %neg3A_295 = arith.subf %neg3A_294, %get3A_51 : vector<64x512xf32>
      %exp3A = math.exp %neg3A_295 : vector<64x512xf32>
      %mul3A_296 = arith.mulf %sub3A_293, %exp3A : vector<64x512xf32>
      %add3A_297 = arith.addf %max3A_290, %mul3A_296 : vector<64x512xf32>
      %div3A_298 = arith.divf %max3A_290, %add3A_297 : vector<64x512xf32>
      %lt3A = vector.broadcast %get3A_1 : i32 to vector<64x512xi32>
      %lt3A_299 = arith.cmpi slt, %add3A_45, %lt3A : vector<64x512xi32>
      %lt3A_300 = vector.broadcast %get3A_1 : i32 to vector<64x512xi32>
      %lt3A_301 = arith.cmpi slt, %iota3A_46, %lt3A_300 : vector<64x512xi32>
      %and3A = arith.andi %lt3A_299, %lt3A_301 : vector<64x512xi1>
      %ne3A = arith.cmpi ne, %add3A_45, %iota3A_46 : vector<64x512xi32>
      %and3A_302 = arith.andi %and3A, %ne3A : vector<64x512xi1>
      %jit3A = arith.constant 0.000000e+00 : f32
      %broadcast_in_dim3A_303 = vector.broadcast %jit3A : f32 to vector<64x512xf32>
      %select_n3A = arith.select %and3A_302, %div3A_298, %broadcast_in_dim3A_303 : vector<64x512xi1>, vector<64x512xf32>
      %swap3A = arith.constant 0 : index
      %swap3A_304 = arith.index_cast %mul3A_43 : i32 to index
      %swap3A_305 = arith.constant 0 : index
      %swap3A_306 = vector.load %arg3[%swap3A, %swap3A_304, %swap3A_305] : memref<1x512x512xf32, #tpu.memory_space<vmem>>, vector<1x64x512xf32>
      %swap3A_307 = vector.shape_cast %swap3A_306 : vector<1x64x512xf32> to vector<64x512xf32>
      %swap3A_308 = vector.shape_cast %select_n3A : vector<64x512xf32> to vector<1x64x512xf32>
      tpu.vector_store %arg3[%swap3A, %swap3A_304, %swap3A_305], %swap3A_308 {strides = array<i32>} : memref<1x512x512xf32, #tpu.memory_space<vmem>>, vector<1x64x512xf32>,
    }
    %while3A_21 = arith.constant 1 : i32
    scf.for %while3A_40 = %while3A_19 to %while3A_15 step %while3A_21  : i32 {
      %mul3A = arith.muli %while3A_40, %while3A : i32
      %add3A_41 = arith.addi %while3A_12, %mul3A : i32
      %mul3A_42 = arith.constant 64 : i32
      %mul3A_43 = arith.muli %add3A_41, %mul3A_42 : i32
      %iota3A = tpu.iota {dimensions = array<i32: 0>} : vector<64x512xi32>
      %add3A_44 = vector.broadcast %mul3A_43 : i32 to vector<64x512xi32>
      %add3A_45 = arith.addi %add3A_44, %iota3A : vector<64x512xi32>
      %iota3A_46 = tpu.iota {dimensions = array<i32: 1>} : vector<64x512xi32>
      %get3A_47 = arith.constant 0 : index
      %get3A_48 = arith.index_cast %mul3A_43 : i32 to index
      %get3A_49 = arith.constant 0 : index
      %get3A_50 = vector.load %arg2[%get3A_47, %get3A_48, %get3A_49] : memref<1x512x512xf32, #tpu.memory_space<vmem>>, vector<1x64x512xf32>
      %get3A_51 = vector.shape_cast %get3A_50 : vector<1x64x512xf32> to vector<64x512xf32>
      %mul3A_52 = arith.constant 262144 : i32
      %mul3A_53 = arith.muli %add3A_0, %mul3A_52 : i32
      %mul3A_54 = arith.constant 512 : i32
      %mul3A_55 = vector.broadcast %mul3A_54 : i32 to vector<64x512xi32>
      %mul3A_56 = arith.muli %add3A_45, %mul3A_55 : vector<64x512xi32>
      %add3A_57 = vector.broadcast %mul3A_53 : i32 to vector<64x512xi32>
      %add3A_58 = arith.addi %add3A_57, %mul3A_56 : vector<64x512xi32>
      %add3A_59 = arith.addi %add3A_58, %iota3A_46 : vector<64x512xi32>
      %broadcast_in_dim3A = arith.constant 0 : i32
      %broadcast_in_dim3A_60 = vector.broadcast %broadcast_in_dim3A : i32 to vector<64x512xi32>
      %add3A_61 = arith.constant 0 : i32
      %add3A_62 = vector.broadcast %add3A_61 : i32 to vector<64x512xi32>
      %add3A_63 = arith.addi %broadcast_in_dim3A_60, %add3A_62 : vector<64x512xi32>
      %add3A_64 = arith.constant 42 : i32
      %add3A_65 = vector.broadcast %add3A_64 : i32 to vector<64x512xi32>
      %add3A_66 = arith.addi %add3A_59, %add3A_65 : vector<64x512xi32>
      %add3A_67 = arith.addi %add3A_63, %add3A_66 : vector<64x512xi32>
      %shift_left3A = arith.constant 13 : i32
      %shift_left3A_68 = vector.broadcast %shift_left3A : i32 to vector<64x512xi32>
      %shift_left3A_69 = arith.shli %add3A_66, %shift_left3A_68 : vector<64x512xi32>
      %shift_right_logical3A = arith.constant 19 : i32
      %shift_right_logical3A_70 = vector.broadcast %shift_right_logical3A : i32 to vector<64x512xi32>
      %shift_right_logical3A_71 = arith.shrui %add3A_66, %shift_right_logical3A_70 : vector<64x512xi32>
      %or3A = arith.ori %shift_left3A_69, %shift_right_logical3A_71 : vector<64x512xi32>
      %xor3A = arith.xori %or3A, %add3A_67 : vector<64x512xi32>
      %add3A_72 = arith.addi %add3A_67, %xor3A : vector<64x512xi32>
      %shift_left3A_73 = arith.constant 15 : i32
      %shift_left3A_74 = vector.broadcast %shift_left3A_73 : i32 to vector<64x512xi32>
      %shift_left3A_75 = arith.shli %xor3A, %shift_left3A_74 : vector<64x512xi32>
      %shift_right_logical3A_76 = arith.constant 17 : i32
      %shift_right_logical3A_77 = vector.broadcast %shift_right_logical3A_76 : i32 to vector<64x512xi32>
      %shift_right_logical3A_78 = arith.shrui %xor3A, %shift_right_logical3A_77 : vector<64x512xi32>
      %or3A_79 = arith.ori %shift_left3A_75, %shift_right_logical3A_78 : vector<64x512xi32>
      %xor3A_80 = arith.xori %or3A_79, %add3A_72 : vector<64x512xi32>
      %add3A_81 = arith.addi %add3A_72, %xor3A_80 : vector<64x512xi32>
      %shift_left3A_82 = arith.constant 26 : i32
      %shift_left3A_83 = vector.broadcast %shift_left3A_82 : i32 to vector<64x512xi32>
      %shift_left3A_84 = arith.shli %xor3A_80, %shift_left3A_83 : vector<64x512xi32>
      %shift_right_logical3A_85 = arith.constant 6 : i32
      %shift_right_logical3A_86 = vector.broadcast %shift_right_logical3A_85 : i32 to vector<64x512xi32>
      %shift_right_logical3A_87 = arith.shrui %xor3A_80, %shift_right_logical3A_86 : vector<64x512xi32>
      %or3A_88 = arith.ori %shift_left3A_84, %shift_right_logical3A_87 : vector<64x512xi32>
      %xor3A_89 = arith.xori %or3A_88, %add3A_81 : vector<64x512xi32>
      %add3A_90 = arith.addi %add3A_81, %xor3A_89 : vector<64x512xi32>
      %shift_left3A_91 = arith.constant 6 : i32
      %shift_left3A_92 = vector.broadcast %shift_left3A_91 : i32 to vector<64x512xi32>
      %shift_left3A_93 = arith.shli %xor3A_89, %shift_left3A_92 : vector<64x512xi32>
      %shift_right_logical3A_94 = arith.constant 26 : i32
      %shift_right_logical3A_95 = vector.broadcast %shift_right_logical3A_94 : i32 to vector<64x512xi32>
      %shift_right_logical3A_96 = arith.shrui %xor3A_89, %shift_right_logical3A_95 : vector<64x512xi32>
      %or3A_97 = arith.ori %shift_left3A_93, %shift_right_logical3A_96 : vector<64x512xi32>
      %xor3A_98 = arith.xori %or3A_97, %add3A_90 : vector<64x512xi32>
      %add3A_99 = arith.constant 42 : i32
      %add3A_100 = vector.broadcast %add3A_99 : i32 to vector<64x512xi32>
      %add3A_101 = arith.addi %add3A_90, %add3A_100 : vector<64x512xi32>
      %add3A_102 = arith.constant 466689009 : i32
      %add3A_103 = vector.broadcast %add3A_102 : i32 to vector<64x512xi32>
      %add3A_104 = arith.addi %xor3A_98, %add3A_103 : vector<64x512xi32>
      %add3A_105 = arith.addi %add3A_101, %add3A_104 : vector<64x512xi32>
      %shift_left3A_106 = arith.constant 17 : i32
      %shift_left3A_107 = vector.broadcast %shift_left3A_106 : i32 to vector<64x512xi32>
      %shift_left3A_108 = arith.shli %add3A_104, %shift_left3A_107 : vector<64x512xi32>
      %shift_right_logical3A_109 = arith.constant 15 : i32
      %shift_right_logical3A_110 = vector.broadcast %shift_right_logical3A_109 : i32 to vector<64x512xi32>
      %shift_right_logical3A_111 = arith.shrui %add3A_104, %shift_right_logical3A_110 : vector<64x512xi32>
      %or3A_112 = arith.ori %shift_left3A_108, %shift_right_logical3A_111 : vector<64x512xi32>
      %xor3A_113 = arith.xori %or3A_112, %add3A_105 : vector<64x512xi32>
      %add3A_114 = arith.addi %add3A_105, %xor3A_113 : vector<64x512xi32>
      %shift_left3A_115 = arith.constant 29 : i32
      %shift_left3A_116 = vector.broadcast %shift_left3A_115 : i32 to vector<64x512xi32>
      %shift_left3A_117 = arith.shli %xor3A_113, %shift_left3A_116 : vector<64x512xi32>
      %shift_right_logical3A_118 = arith.constant 3 : i32
      %shift_right_logical3A_119 = vector.broadcast %shift_right_logical3A_118 : i32 to vector<64x512xi32>
      %shift_right_logical3A_120 = arith.shrui %xor3A_113, %shift_right_logical3A_119 : vector<64x512xi32>
      %or3A_121 = arith.ori %shift_left3A_117, %shift_right_logical3A_120 : vector<64x512xi32>
      %xor3A_122 = arith.xori %or3A_121, %add3A_114 : vector<64x512xi32>
      %add3A_123 = arith.addi %add3A_114, %xor3A_122 : vector<64x512xi32>
      %shift_left3A_124 = arith.constant 16 : i32
      %shift_left3A_125 = vector.broadcast %shift_left3A_124 : i32 to vector<64x512xi32>
      %shift_left3A_126 = arith.shli %xor3A_122, %shift_left3A_125 : vector<64x512xi32>
      %shift_right_logical3A_127 = arith.constant 16 : i32
      %shift_right_logical3A_128 = vector.broadcast %shift_right_logical3A_127 : i32 to vector<64x512xi32>
      %shift_right_logical3A_129 = arith.shrui %xor3A_122, %shift_right_logical3A_128 : vector<64x512xi32>
      %or3A_130 = arith.ori %shift_left3A_126, %shift_right_logical3A_129 : vector<64x512xi32>
      %xor3A_131 = arith.xori %or3A_130, %add3A_123 : vector<64x512xi32>
      %add3A_132 = arith.addi %add3A_123, %xor3A_131 : vector<64x512xi32>
      %shift_left3A_133 = arith.constant 24 : i32
      %shift_left3A_134 = vector.broadcast %shift_left3A_133 : i32 to vector<64x512xi32>
      %shift_left3A_135 = arith.shli %xor3A_131, %shift_left3A_134 : vector<64x512xi32>
      %shift_right_logical3A_136 = arith.constant 8 : i32
      %shift_right_logical3A_137 = vector.broadcast %shift_right_logical3A_136 : i32 to vector<64x512xi32>
      %shift_right_logical3A_138 = arith.shrui %xor3A_131, %shift_right_logical3A_137 : vector<64x512xi32>
      %or3A_139 = arith.ori %shift_left3A_135, %shift_right_logical3A_138 : vector<64x512xi32>
      %xor3A_140 = arith.xori %or3A_139, %add3A_132 : vector<64x512xi32>
      %add3A_141 = arith.constant 466689008 : i32
      %add3A_142 = vector.broadcast %add3A_141 : i32 to vector<64x512xi32>
      %add3A_143 = arith.addi %add3A_132, %add3A_142 : vector<64x512xi32>
      %add3A_144 = arith.constant 2 : i32
      %add3A_145 = vector.broadcast %add3A_144 : i32 to vector<64x512xi32>
      %add3A_146 = arith.addi %xor3A_140, %add3A_145 : vector<64x512xi32>
      %add3A_147 = arith.addi %add3A_143, %add3A_146 : vector<64x512xi32>
      %shift_left3A_148 = arith.constant 13 : i32
      %shift_left3A_149 = vector.broadcast %shift_left3A_148 : i32 to vector<64x512xi32>
      %shift_left3A_150 = arith.shli %add3A_146, %shift_left3A_149 : vector<64x512xi32>
      %shift_right_logical3A_151 = arith.constant 19 : i32
      %shift_right_logical3A_152 = vector.broadcast %shift_right_logical3A_151 : i32 to vector<64x512xi32>
      %shift_right_logical3A_153 = arith.shrui %add3A_146, %shift_right_logical3A_152 : vector<64x512xi32>
      %or3A_154 = arith.ori %shift_left3A_150, %shift_right_logical3A_153 : vector<64x512xi32>
      %xor3A_155 = arith.xori %or3A_154, %add3A_147 : vector<64x512xi32>
      %add3A_156 = arith.addi %add3A_147, %xor3A_155 : vector<64x512xi32>
      %shift_left3A_157 = arith.constant 15 : i32
      %shift_left3A_158 = vector.broadcast %shift_left3A_157 : i32 to vector<64x512xi32>
      %shift_left3A_159 = arith.shli %xor3A_155, %shift_left3A_158 : vector<64x512xi32>
      %shift_right_logical3A_160 = arith.constant 17 : i32
      %shift_right_logical3A_161 = vector.broadcast %shift_right_logical3A_160 : i32 to vector<64x512xi32>
      %shift_right_logical3A_162 = arith.shrui %xor3A_155, %shift_right_logical3A_161 : vector<64x512xi32>
      %or3A_163 = arith.ori %shift_left3A_159, %shift_right_logical3A_162 : vector<64x512xi32>
      %xor3A_164 = arith.xori %or3A_163, %add3A_156 : vector<64x512xi32>
      %add3A_165 = arith.addi %add3A_156, %xor3A_164 : vector<64x512xi32>
      %shift_left3A_166 = arith.constant 26 : i32
      %shift_left3A_167 = vector.broadcast %shift_left3A_166 : i32 to vector<64x512xi32>
      %shift_left3A_168 = arith.shli %xor3A_164, %shift_left3A_167 : vector<64x512xi32>
      %shift_right_logical3A_169 = arith.constant 6 : i32
      %shift_right_logical3A_170 = vector.broadcast %shift_right_logical3A_169 : i32 to vector<64x512xi32>
      %shift_right_logical3A_171 = arith.shrui %xor3A_164, %shift_right_logical3A_170 : vector<64x512xi32>
      %or3A_172 = arith.ori %shift_left3A_168, %shift_right_logical3A_171 : vector<64x512xi32>
      %xor3A_173 = arith.xori %or3A_172, %add3A_165 : vector<64x512xi32>
      %add3A_174 = arith.addi %add3A_165, %xor3A_173 : vector<64x512xi32>
      %shift_left3A_175 = arith.constant 6 : i32
      %shift_left3A_176 = vector.broadcast %shift_left3A_175 : i32 to vector<64x512xi32>
      %shift_left3A_177 = arith.shli %xor3A_173, %shift_left3A_176 : vector<64x512xi32>
      %shift_right_logical3A_178 = arith.constant 26 : i32
      %shift_right_logical3A_179 = vector.broadcast %shift_right_logical3A_178 : i32 to vector<64x512xi32>
      %shift_right_logical3A_180 = arith.shrui %xor3A_173, %shift_right_logical3A_179 : vector<64x512xi32>
      %or3A_181 = arith.ori %shift_left3A_177, %shift_right_logical3A_180 : vector<64x512xi32>
      %xor3A_182 = arith.xori %or3A_181, %add3A_174 : vector<64x512xi32>
      %add3A_183 = arith.constant 0 : i32
      %add3A_184 = vector.broadcast %add3A_183 : i32 to vector<64x512xi32>
      %add3A_185 = arith.addi %add3A_174, %add3A_184 : vector<64x512xi32>
      %add3A_186 = arith.constant 45 : i32
      %add3A_187 = vector.broadcast %add3A_186 : i32 to vector<64x512xi32>
      %add3A_188 = arith.addi %xor3A_182, %add3A_187 : vector<64x512xi32>
      %add3A_189 = arith.addi %add3A_185, %add3A_188 : vector<64x512xi32>
      %shift_left3A_190 = arith.constant 17 : i32
      %shift_left3A_191 = vector.broadcast %shift_left3A_190 : i32 to vector<64x512xi32>
      %shift_left3A_192 = arith.shli %add3A_188, %shift_left3A_191 : vector<64x512xi32>
      %shift_right_logical3A_193 = arith.constant 15 : i32
      %shift_right_logical3A_194 = vector.broadcast %shift_right_logical3A_193 : i32 to vector<64x512xi32>
      %shift_right_logical3A_195 = arith.shrui %add3A_188, %shift_right_logical3A_194 : vector<64x512xi32>
      %or3A_196 = arith.ori %shift_left3A_192, %shift_right_logical3A_195 : vector<64x512xi32>
      %xor3A_197 = arith.xori %or3A_196, %add3A_189 : vector<64x512xi32>
      %add3A_198 = arith.addi %add3A_189, %xor3A_197 : vector<64x512xi32>
      %shift_left3A_199 = arith.constant 29 : i32
      %shift_left3A_200 = vector.broadcast %shift_left3A_199 : i32 to vector<64x512xi32>
      %shift_left3A_201 = arith.shli %xor3A_197, %shift_left3A_200 : vector<64x512xi32>
      %shift_right_logical3A_202 = arith.constant 3 : i32
      %shift_right_logical3A_203 = vector.broadcast %shift_right_logical3A_202 : i32 to vector<64x512xi32>
      %shift_right_logical3A_204 = arith.shrui %xor3A_197, %shift_right_logical3A_203 : vector<64x512xi32>
      %or3A_205 = arith.ori %shift_left3A_201, %shift_right_logical3A_204 : vector<64x512xi32>
      %xor3A_206 = arith.xori %or3A_205, %add3A_198 : vector<64x512xi32>
      %add3A_207 = arith.addi %add3A_198, %xor3A_206 : vector<64x512xi32>
      %shift_left3A_208 = arith.constant 16 : i32
      %shift_left3A_209 = vector.broadcast %shift_left3A_208 : i32 to vector<64x512xi32>
      %shift_left3A_210 = arith.shli %xor3A_206, %shift_left3A_209 : vector<64x512xi32>
      %shift_right_logical3A_211 = arith.constant 16 : i32
      %shift_right_logical3A_212 = vector.broadcast %shift_right_logical3A_211 : i32 to vector<64x512xi32>
      %shift_right_logical3A_213 = arith.shrui %xor3A_206, %shift_right_logical3A_212 : vector<64x512xi32>
      %or3A_214 = arith.ori %shift_left3A_210, %shift_right_logical3A_213 : vector<64x512xi32>
      %xor3A_215 = arith.xori %or3A_214, %add3A_207 : vector<64x512xi32>
      %add3A_216 = arith.addi %add3A_207, %xor3A_215 : vector<64x512xi32>
      %shift_left3A_217 = arith.constant 24 : i32
      %shift_left3A_218 = vector.broadcast %shift_left3A_217 : i32 to vector<64x512xi32>
      %shift_left3A_219 = arith.shli %xor3A_215, %shift_left3A_218 : vector<64x512xi32>
      %shift_right_logical3A_220 = arith.constant 8 : i32
      %shift_right_logical3A_221 = vector.broadcast %shift_right_logical3A_220 : i32 to vector<64x512xi32>
      %shift_right_logical3A_222 = arith.shrui %xor3A_215, %shift_right_logical3A_221 : vector<64x512xi32>
      %or3A_223 = arith.ori %shift_left3A_219, %shift_right_logical3A_222 : vector<64x512xi32>
      %xor3A_224 = arith.xori %or3A_223, %add3A_216 : vector<64x512xi32>
      %add3A_225 = arith.constant 42 : i32
      %add3A_226 = vector.broadcast %add3A_225 : i32 to vector<64x512xi32>
      %add3A_227 = arith.addi %add3A_216, %add3A_226 : vector<64x512xi32>
      %add3A_228 = arith.constant 466689012 : i32
      %add3A_229 = vector.broadcast %add3A_228 : i32 to vector<64x512xi32>
      %add3A_230 = arith.addi %xor3A_224, %add3A_229 : vector<64x512xi32>
      %add3A_231 = arith.addi %add3A_227, %add3A_230 : vector<64x512xi32>
      %shift_left3A_232 = arith.constant 13 : i32
      %shift_left3A_233 = vector.broadcast %shift_left3A_232 : i32 to vector<64x512xi32>
      %shift_left3A_234 = arith.shli %add3A_230, %shift_left3A_233 : vector<64x512xi32>
      %shift_right_logical3A_235 = arith.constant 19 : i32
      %shift_right_logical3A_236 = vector.broadcast %shift_right_logical3A_235 : i32 to vector<64x512xi32>
      %shift_right_logical3A_237 = arith.shrui %add3A_230, %shift_right_logical3A_236 : vector<64x512xi32>
      %or3A_238 = arith.ori %shift_left3A_234, %shift_right_logical3A_237 : vector<64x512xi32>
      %xor3A_239 = arith.xori %or3A_238, %add3A_231 : vector<64x512xi32>
      %add3A_240 = arith.addi %add3A_231, %xor3A_239 : vector<64x512xi32>
      %shift_left3A_241 = arith.constant 15 : i32
      %shift_left3A_242 = vector.broadcast %shift_left3A_241 : i32 to vector<64x512xi32>
      %shift_left3A_243 = arith.shli %xor3A_239, %shift_left3A_242 : vector<64x512xi32>
      %shift_right_logical3A_244 = arith.constant 17 : i32
      %shift_right_logical3A_245 = vector.broadcast %shift_right_logical3A_244 : i32 to vector<64x512xi32>
      %shift_right_logical3A_246 = arith.shrui %xor3A_239, %shift_right_logical3A_245 : vector<64x512xi32>
      %or3A_247 = arith.ori %shift_left3A_243, %shift_right_logical3A_246 : vector<64x512xi32>
      %xor3A_248 = arith.xori %or3A_247, %add3A_240 : vector<64x512xi32>
      %add3A_249 = arith.addi %add3A_240, %xor3A_248 : vector<64x512xi32>
      %shift_left3A_250 = arith.constant 26 : i32
      %shift_left3A_251 = vector.broadcast %shift_left3A_250 : i32 to vector<64x512xi32>
      %shift_left3A_252 = arith.shli %xor3A_248, %shift_left3A_251 : vector<64x512xi32>
      %shift_right_logical3A_253 = arith.constant 6 : i32
      %shift_right_logical3A_254 = vector.broadcast %shift_right_logical3A_253 : i32 to vector<64x512xi32>
      %shift_right_logical3A_255 = arith.shrui %xor3A_248, %shift_right_logical3A_254 : vector<64x512xi32>
      %or3A_256 = arith.ori %shift_left3A_252, %shift_right_logical3A_255 : vector<64x512xi32>
      %xor3A_257 = arith.xori %or3A_256, %add3A_249 : vector<64x512xi32>
      %add3A_258 = arith.addi %add3A_249, %xor3A_257 : vector<64x512xi32>
      %shift_left3A_259 = arith.constant 6 : i32
      %shift_left3A_260 = vector.broadcast %shift_left3A_259 : i32 to vector<64x512xi32>
      %shift_left3A_261 = arith.shli %xor3A_257, %shift_left3A_260 : vector<64x512xi32>
      %shift_right_logical3A_262 = arith.constant 26 : i32
      %shift_right_logical3A_263 = vector.broadcast %shift_right_logical3A_262 : i32 to vector<64x512xi32>
      %shift_right_logical3A_264 = arith.shrui %xor3A_257, %shift_right_logical3A_263 : vector<64x512xi32>
      %or3A_265 = arith.ori %shift_left3A_261, %shift_right_logical3A_264 : vector<64x512xi32>
      %xor3A_266 = arith.xori %or3A_265, %add3A_258 : vector<64x512xi32>
      %add3A_267 = arith.constant 466689008 : i32
      %add3A_268 = vector.broadcast %add3A_267 : i32 to vector<64x512xi32>
      %add3A_269 = arith.addi %add3A_258, %add3A_268 : vector<64x512xi32>
      %add3A_270 = arith.constant 5 : i32
      %add3A_271 = vector.broadcast %add3A_270 : i32 to vector<64x512xi32>
      %add3A_272 = arith.addi %xor3A_266, %add3A_271 : vector<64x512xi32>
      %xor3A_273 = arith.xori %add3A_269, %add3A_272 : vector<64x512xi32>
      %shift_right_logical3A_274 = arith.constant 9 : i32
      %shift_right_logical3A_275 = vector.broadcast %shift_right_logical3A_274 : i32 to vector<64x512xi32>
      %shift_right_logical3A_276 = arith.shrui %xor3A_273, %shift_right_logical3A_275 : vector<64x512xi32>
      %or3A_277 = arith.constant 1065353216 : i32
      %or3A_278 = vector.broadcast %or3A_277 : i32 to vector<64x512xi32>
      %or3A_279 = arith.ori %shift_right_logical3A_276, %or3A_278 : vector<64x512xi32>
      %bitcast_convert_type3A = tpu.bitcast %or3A_279 : vector<64x512xi32> -> vector<64x512xf32>
      %sub3A_280 = arith.constant 1.000000e+00 : f32
      %sub3A_281 = vector.broadcast %sub3A_280 : f32 to vector<64x512xf32>
      %sub3A_282 = arith.subf %bitcast_convert_type3A, %sub3A_281 : vector<64x512xf32>
      %mul3A_283 = arith.constant 0.999997973 : f32
      %mul3A_284 = vector.broadcast %mul3A_283 : f32 to vector<64x512xf32>
      %mul3A_285 = arith.mulf %sub3A_282, %mul3A_284 : vector<64x512xf32>
      %add3A_286 = arith.constant 9.99999997E-7 : f32
      %add3A_287 = vector.broadcast %add3A_286 : f32 to vector<64x512xf32>
      %add3A_288 = arith.addf %mul3A_285, %add3A_287 : vector<64x512xf32>
      %max3A = arith.constant 9.99999997E-7 : f32
      %max3A_289 = vector.broadcast %max3A : f32 to vector<64x512xf32>
      %max3A_290 = arith.maximumf %max3A_289, %add3A_288 : vector<64x512xf32>
      %sub3A_291 = arith.constant 1.000000e+00 : f32
      %sub3A_292 = vector.broadcast %sub3A_291 : f32 to vector<64x512xf32>
      %sub3A_293 = arith.subf %sub3A_292, %max3A_290 : vector<64x512xf32>
      %neg3A = arith.constant 0.000000e+00 : f32
      %neg3A_294 = vector.broadcast %neg3A : f32 to vector<64x512xf32>
      %neg3A_295 = arith.subf %neg3A_294, %get3A_51 : vector<64x512xf32>
      %exp3A = math.exp %neg3A_295 : vector<64x512xf32>
      %mul3A_296 = arith.mulf %sub3A_293, %exp3A : vector<64x512xf32>
      %add3A_297 = arith.addf %max3A_290, %mul3A_296 : vector<64x512xf32>
      %div3A_298 = arith.divf %max3A_290, %add3A_297 : vector<64x512xf32>
      %lt3A = vector.broadcast %get3A_1 : i32 to vector<64x512xi32>
      %lt3A_299 = arith.cmpi slt, %add3A_45, %lt3A : vector<64x512xi32>
      %lt3A_300 = vector.broadcast %get3A_1 : i32 to vector<64x512xi32>
      %lt3A_301 = arith.cmpi slt, %iota3A_46, %lt3A_300 : vector<64x512xi32>
      %and3A = arith.andi %lt3A_299, %lt3A_301 : vector<64x512xi1>
      %ne3A = arith.cmpi ne, %add3A_45, %iota3A_46 : vector<64x512xi32>
      %and3A_302 = arith.andi %and3A, %ne3A : vector<64x512xi1>
      %jit3A = arith.constant 0.000000e+00 : f32
      %broadcast_in_dim3A_303 = vector.broadcast %jit3A : f32 to vector<64x512xf32>
      %select_n3A = arith.select %and3A_302, %div3A_298, %broadcast_in_dim3A_303 : vector<64x512xi1>, vector<64x512xf32>
      %swap3A = arith.constant 0 : index
      %swap3A_304 = arith.index_cast %mul3A_43 : i32 to index
      %swap3A_305 = arith.constant 0 : index
      %swap3A_306 = vector.load %arg3[%swap3A, %swap3A_304, %swap3A_305] : memref<1x512x512xf32, #tpu.memory_space<vmem>>, vector<1x64x512xf32>
      %swap3A_307 = vector.shape_cast %swap3A_306 : vector<1x64x512xf32> to vector<64x512xf32>
      %swap3A_308 = vector.shape_cast %select_n3A : vector<64x512xf32> to vector<1x64x512xf32>
      tpu.vector_store %arg3[%swap3A, %swap3A_304, %swap3A_305], %swap3A_308 {strides = array<i32>} : memref<1x512x512xf32, #tpu.memory_space<vmem>>, vector<1x64x512xf32>,
    }
    %sub3A_22 = arith.constant 8 : i32
    %sub3A_23 = arith.subi %sub3A_22, %div3A_4 : i32
    %sub3A_24 = arith.constant 1 : i32
    %sub3A_25 = arith.constant 1 : i32
    %sub3A_26 = arith.subi %sub3A_24, %sub3A_25 : i32
    %add3A_27 = arith.addi %sub3A_23, %sub3A_26 : i32
    %div3A_28 = arith.constant 1 : i32
    %div3A_29 = arith.divsi %add3A_27, %div3A_28 : i32
    %while3A_30 = arith.constant 1 : i32
    %while3A_31 = arith.constant 0 : i32
    %while3A_32 = arith.subi %div3A_29, %while3A_31 : i32
    %while3A_33 = arith.addi %while3A_31, %while3A_32 : i32
    %while3A_34 = arith.constant 1 : i32
    %while3A_35 = arith.divsi %while3A_32, %while3A_34 : i32
    %while3A_36 = arith.muli %while3A_35, %while3A_34 : i32
    %while3A_37 = arith.addi %while3A_31, %while3A_36 : i32
    %while3A_38 = arith.constant 1 : i32
    scf.for %while3A_40 = %while3A_31 to %while3A_37 step %while3A_38  : i32 {
      %mul3A = arith.muli %while3A_40, %while3A_30 : i32
      %add3A_41 = arith.addi %div3A_4, %mul3A : i32
      %broadcast_in_dim3A = arith.constant 0.000000e+00 : f32
      %broadcast_in_dim3A_42 = vector.broadcast %broadcast_in_dim3A : f32 to vector<64x512xf32>
      %mul3A_43 = arith.constant 64 : i32
      %mul3A_44 = arith.muli %add3A_41, %mul3A_43 : i32
      %swap3A = arith.constant 0 : index
      %swap3A_45 = arith.index_cast %mul3A_44 : i32 to index
      %swap3A_46 = arith.constant 0 : index
      %swap3A_47 = vector.load %arg3[%swap3A, %swap3A_45, %swap3A_46] : memref<1x512x512xf32, #tpu.memory_space<vmem>>, vector<1x64x512xf32>
      %swap3A_48 = vector.shape_cast %swap3A_47 : vector<1x64x512xf32> to vector<64x512xf32>
      %swap3A_49 = vector.shape_cast %broadcast_in_dim3A_42 : vector<64x512xf32> to vector<1x64x512xf32>
      tpu.vector_store %arg3[%swap3A, %swap3A_45, %swap3A_46], %swap3A_49 {strides = array<i32>} : memref<1x512x512xf32, #tpu.memory_space<vmem>>, vector<1x64x512xf32>,
    }
    %while3A_39 = arith.constant 1 : i32
    scf.for %while3A_40 = %while3A_37 to %while3A_33 step %while3A_39  : i32 {
      %mul3A = arith.muli %while3A_40, %while3A_30 : i32
      %add3A_41 = arith.addi %div3A_4, %mul3A : i32
      %broadcast_in_dim3A = arith.constant 0.000000e+00 : f32
      %broadcast_in_dim3A_42 = vector.broadcast %broadcast_in_dim3A : f32 to vector<64x512xf32>
      %mul3A_43 = arith.constant 64 : i32
      %mul3A_44 = arith.muli %add3A_41, %mul3A_43 : i32
      %swap3A = arith.constant 0 : index
      %swap3A_45 = arith.index_cast %mul3A_44 : i32 to index
      %swap3A_46 = arith.constant 0 : index
      %swap3A_47 = vector.load %arg3[%swap3A, %swap3A_45, %swap3A_46] : memref<1x512x512xf32, #tpu.memory_space<vmem>>, vector<1x64x512xf32>
      %swap3A_48 = vector.shape_cast %swap3A_47 : vector<1x64x512xf32> to vector<64x512xf32>
      %swap3A_49 = vector.shape_cast %broadcast_in_dim3A_42 : vector<64x512xf32> to vector<1x64x512xf32>
      tpu.vector_store %arg3[%swap3A, %swap3A_45, %swap3A_46], %swap3A_49 {strides = array<i32>} : memref<1x512x512xf32, #tpu.memory_space<vmem>>, vector<1x64x512xf32>,
    }
    return
  }
  func.func @transform_0(%arg0: i32) -> i32 {
    %c0_i32 = arith.constant 0 : i32
    %c0_i32_0 = arith.constant 0 : i32
    return %c0_i32 : i32
  }
  func.func @transform_1(%arg0: i32) -> (i32, i32, i32) {
    %add3A = arith.constant 2 : i32
    %add3A_0 = arith.addi %arg0, %add3A : i32
    %c0_i32 = arith.constant 0 : i32
    %c0_i32_1 = arith.constant 0 : i32
    %c0_i32_2 = arith.constant 0 : i32
    return %add3A_0, %c0_i32, %c0_i32_1 : i32, i32, i32
  }
  func.func @transform_2(%arg0: i32) -> (i32, i32, i32) {
    %add3A = arith.constant 2 : i32
    %add3A_0 = arith.addi %arg0, %add3A : i32
    %c0_i32 = arith.constant 0 : i32
    %c0_i32_1 = arith.constant 0 : i32
    %c0_i32_2 = arith.constant 0 : i32
    return %add3A_0, %c0_i32, %c0_i32_1 : i32, i32, i32
  }
}

module attributes {stable_mosaic.version = 14 : i64} {
  func.func @_merge_body(%arg0: i32, %arg1: memref<1x512x512xf32, #tpu.memory_space<vmem>>, %arg2: memref<16x512x512xf32, #tpu.memory_space<any>>, %arg3: memref<1x512x512xf32, #tpu.memory_space<vmem>>) attributes {dimension_semantics = [#tpu.dimension_semantics<arbitrary>], iteration_bounds = array<i64: 2>, scalar_prefetch = 0 : i64, scratch_operands = 0 : i64, tpu.core_type = #tpu.core_type<tc>, window_params = [{transform_indices = @transform_0, window_bounds = array<i64: 1, 512, 512>}, {}, {transform_indices = @transform_2, window_bounds = array<i64: 1, 512, 512>}]} {
    %get3A = arith.constant 0 : index
    %get3A_0 = arith.constant 0 : index
    %get3A_1 = arith.constant 0 : index
    %get3A_2 = vector.load %arg1[%get3A, %get3A_0, %get3A_1] : memref<1x512x512xf32, #tpu.memory_space<vmem>>, vector<1x512x512xf32>
    %get3A_3 = vector.shape_cast %get3A_2 : vector<1x512x512xf32> to vector<512x512xf32>
    %swap3A = arith.constant 0 : index
    %swap3A_4 = arith.constant 0 : index
    %swap3A_5 = arith.constant 0 : index
    %swap3A_6 = vector.load %arg3[%swap3A, %swap3A_4, %swap3A_5] : memref<1x512x512xf32, #tpu.memory_space<vmem>>, vector<1x512x512xf32>
    %swap3A_7 = vector.shape_cast %swap3A_6 : vector<1x512x512xf32> to vector<512x512xf32>
    %swap3A_8 = vector.shape_cast %get3A_3 : vector<512x512xf32> to vector<1x512x512xf32>
    tpu.vector_store %arg3[%swap3A, %swap3A_4, %swap3A_5], %swap3A_8 {strides = array<i32>} : memref<1x512x512xf32, #tpu.memory_space<vmem>>, vector<1x512x512xf32>,
    return
  }
  func.func @transform_0(%arg0: i32) -> (i32, i32, i32) {
    %c0_i32 = arith.constant 0 : i32
    %c0_i32_0 = arith.constant 0 : i32
    %c0_i32_1 = arith.constant 0 : i32
    return %arg0, %c0_i32, %c0_i32_0 : i32, i32, i32
  }
  func.func @transform_2(%arg0: i32) -> (i32, i32, i32) {
    %c0_i32 = arith.constant 0 : i32
    %c0_i32_0 = arith.constant 0 : i32
    %c0_i32_1 = arith.constant 0 : i32
    return %arg0, %c0_i32, %c0_i32_0 : i32, i32, i32
  }
}

</mosaic_0001>

<sc_bundles>
// kernel: kernel.5.cloned.1.call-start
scs
__scs_entry_jumppad:
0x0: {  	(pc) =	sbr.rel $0x88, $3  }
0x1: {  	(tag) =	ssettag $0x0;
	lr =	simm.s32 $0x1  }
0x2: {  	[smem:$0x3F9F] =	sst lr;
	_ =	strace $0xD0000000  }
0x3: {  	_ = 	snop  }
0x4: {  	_ = 	snop  }
0x5: {  	_ = 	snop  }
0x6: {  	_ = 	snop  }
0x7: {  	_ = 	snop  }
__scs_overlays_trampoline_lowered:
0x8: {  	[smem:$0x3FAE] =	sst s0  }
0x9: {  	[smem:$0x3FAF] =	sst s1  }
0xa: {  	[smem:$0x3FB0] =	sst s2  }
0xb: {  	[smem:$0x3FB1] =	sst s3  }
0xc: {  	[smem:$0x3FB2] =	sst s4  }
0xd: {  	[smem:$0x3FB3] =	sst s5  }
0xe: {  	[smem:$0x3FB4] =	sst s6  }
0xf: {  	[smem:$0x3FB5] =	sst s7  }
0x10: {  	[smem:$0x3FB6] =	sst s8  }
0x11: {  	[smem:$0x3FB7] =	sst s9;
	s0 =	simm.s32 @!p0 $0x0  }
0x12: {  	s1 =	sld [smem:$0x3F9D];
	s0 =	simm.s32 @p0 $0x1  }
0x13: {  	[smem:$0x3FB8] =	sst s0;
	s0 =	simm.s32 @!p1 $0x0  }
0x14: {  	s2 =	sld [smem:$0x3F9C];
	s0 =	simm.s32 @p1 $0x1  }
0x15: {  	[smem:$0x3FB9] =	sst s0;
	s0 =	simm.s32 @!p2 $0x0  }
0x16: {  	s3 =	sld [smem:$0x3FDB];
	s0 =	simm.s32 @p2 $0x1  }
0x17: {  	s4 =	simm.s32 $0x1BF5;
	[smem:$0x3FBB] =	sst s0  }
0x18: {  	s0 =	sld [smem:$0x3F9E];
	_ =	swait.ge [sflag:s4], $0x0  }
0x19: {  	s7 =	sld [smem:$0x3F9F]  }
0x1a: {  	s8 =	sadd.s32 $0xFFFFE003, lr  }
0x1b: {  	s9 =	sadd.s32 $0xFFFFFEF7, lr;
	s5 =	simm.s32 $0xFFFFFFFF;
	p2 =	slt.u32 s8, $0xFFFFF086  }
0x1c: {  	p1 =	slt.u32 s9, $0xF7A;
	s5 =	simm.s32 @!p2 $0x0  }
0x1d: {  	s5 =	simm.s32 @p1 $0x1;
	p0 =	seq.s32 s7, s2  }
0x1e: {  	s7 =	smul.u32 @!p0 $0xF7A, s2;
	p2 =	seq.s32 @!p0 s5, $0x0  }
0x1f: {  	s9 =	smul.u32 $0xF7A, s1;
	s8 =	simm.s32 @!p0 $0x1BF5;
	p2 =	por !p2, p0  }
0x20: {  	[sflag:s8] =	ssyncset.s32 @!p0 $0xFFFFF086;
	s6 =	sadd.s32 @!p0 s3, s7;
	s7 =	simm.s32 @!p0 $0x108  }
0x21: {  	s3 =	sadd.s32 s3, s9;
	s6 =	sadd.s32 @!p0 $0x88, s6;
	s7 =	simm.s32 @p2 $0x1082  }
0x22: {  	[simem:s7], [sflag:s8] =	dma.local @!p0 [hbm:s6], $0xF7A  }
0x23: {  	s9 =	sor.u32 $0xD0000000, s2;
	s6 =	simm.s32 $0x108;
	_ =	swait.ge @!p0 [sflag:s8], $0x0  }
0x24: {  	s3 =	sadd.s32 $0x88, s3;
	s6 =	simm.s32 @!p1 $0x1082;
	[sflag:s4] =	ssyncset.s32 $0xFFFFF086  }
0x25: {  	[simem:s6], [sflag:s4] =	dma.local [hbm:s3], $0xF7A  }
0x26: {  	[smem:$0x3F9F] =	sst s1;
	(tag) =	ssettag s2;
	_ =	strace s9  }
0x27: {  	s1 =	sld [smem:$0x3FAF]  }
0x28: {  	s2 =	sld [smem:$0x3FB0]  }
0x29: {  	s4 =	sld [smem:$0x3FB2]  }
0x2a: {  	p0 =	seq.s32 s5, $0x0;
	s5 =	sld [smem:$0x3FB3]  }
0x2b: {  	s6 =	sld [smem:$0x3FB4]  }
0x2c: {  	s7 =	sld [smem:$0x3FB5]  }
0x2d: {  	s3 =	simm.s32 $0x108;
	s8 =	sld [smem:$0x3FB6]  }
0x2e: {  	s3 =	simm.s32 @!p0 $0x1082;
	s9 =	sld [smem:$0x3FB7]  }
0x2f: {  	lr =	sadd.s32 s0, s3;
	s0 =	sld [smem:$0x3FAE]  }
0x30: {  	s3 =	sld [smem:$0x3FB1]  }
0x31: {  	[smem:$0x3FBA] =	sst s10  }
0x32: {  	s10 =	sld [smem:$0x3FB8];
	_ =	sdelay $0x3  }
0x33: {  	p0 =	seq.s32 s10, $0x1;
	s10 =	sld [smem:$0x3FBA];
	_ =	sdelay $0x3  }
0x34: {  	[smem:$0x3FBA] =	sst s10  }
0x35: {  	s10 =	sld [smem:$0x3FB9];
	_ =	sdelay $0x3  }
0x36: {  	p1 =	seq.s32 s10, $0x1;
	s10 =	sld [smem:$0x3FBA];
	_ =	sdelay $0x3  }
0x37: {  	[smem:$0x3FBA] =	sst s10  }
0x38: {  	s10 =	sld [smem:$0x3FBB]  }
0x39: {  	_ = 	snop;
	(pc) =	sbr.ind lr, $3  }
0x3a: {  	_ = 	snop  }
0x3b: {  	_ = 	snop  }
0x3c: {  	p2 =	seq.s32 s10, $0x1;
	s10 =	sld [smem:$0x3FBA]  }
0x3d: {  	_ =	shalt  }
0x3e: {  	_ =	shalt  }
0x3f: {  	_ =	shalt  }
0x40: {  	_ =	shalt  }
0x41: {  	_ =	shalt  }
0x42: {  	_ =	shalt  }
0x43: {  	_ =	shalt  }
0x44: {  	_ =	shalt  }
0x45: {  	_ =	shalt  }
0x46: {  	_ =	shalt  }
0x47: {  	_ =	shalt  }
0x48: {  	_ =	shalt  }
0x49: {  	_ =	shalt  }
0x4a: {  	_ =	shalt  }
0x4b: {  	_ =	shalt  }
0x4c: {  	_ =	shalt  }
0x4d: {  	_ =	shalt  }
0x4e: {  	_ =	shalt  }
0x4f: {  	_ =	shalt  }
0x50: {  	_ =	shalt  }
0x51: {  	_ =	shalt  }
0x52: {  	_ =	shalt  }
0x53: {  	_ =	shalt  }
0x54: {  	_ =	shalt  }
0x55: {  	_ =	shalt  }
0x56: {  	_ =	shalt  }
0x57: {  	_ =	shalt  }
0x58: {  	_ =	shalt  }
0x59: {  	_ =	shalt  }
0x5a: {  	_ =	shalt  }
0x5b: {  	_ =	shalt  }
0x5c: {  	_ =	shalt  }
0x5d: {  	_ =	shalt  }
0x5e: {  	_ =	shalt  }
0x5f: {  	_ =	shalt  }
0x60: {  	_ =	shalt  }
0x61: {  	_ =	shalt  }
0x62: {  	_ =	shalt  }
0x63: {  	_ =	shalt  }
0x64: {  	_ =	shalt  }
0x65: {  	_ =	shalt  }
0x66: {  	_ =	shalt  }
0x67: {  	_ =	shalt  }
0x68: {  	_ =	shalt  }
0x69: {  	_ =	shalt  }
0x6a: {  	_ =	shalt  }
0x6b: {  	_ =	shalt  }
0x6c: {  	_ =	shalt  }
0x6d: {  	_ =	shalt  }
0x6e: {  	_ =	shalt  }
0x6f: {  	_ =	shalt  }
0x70: {  	_ =	shalt  }
0x71: {  	_ =	shalt  }
0x72: {  	_ =	shalt  }
0x73: {  	_ =	shalt  }
0x74: {  	_ =	shalt  }
0x75: {  	_ =	shalt  }
0x76: {  	_ =	shalt  }
0x77: {  	_ =	shalt  }
0x78: {  	_ =	shalt  }
0x79: {  	_ =	shalt  }
0x7a: {  	_ =	shalt  }
0x7b: {  	_ =	shalt  }
0x7c: {  	_ =	shalt  }
0x7d: {  	_ =	shalt  }
0x7e: {  	_ =	shalt  }
0x7f: {  	_ =	shalt  }
0x80: {  	_ =	shalt  }
0x81: {  	_ =	shalt  }
0x82: {  	_ =	shalt  }
0x83: {  	_ =	shalt  }
0x84: {  	_ =	shalt  }
0x85: {  	_ =	shalt  }
0x86: {  	_ =	shalt  }
0x87: {  	_ =	shalt  }
.Lfunc_end0:
.L_simem_size_0:
called_computation_lowered:
.L_overlay_start_0:
0x88: {  	s2 =	sld [smem:$0x3FD9]  }
0x89: {  	s3 =	sld [smem:$0x3FFE];
	_ =	sdelay $0x1  }
0x8a: {  	s1 =	srdreg.scid  }
0x8b: {  	s0 =	sand.u32 $0x1, s1  }
0x8c: {  	s17 =	sshll.u32 s0, $0xA;
	s2 =	sadd.s32 s3, s2  }
0x8d: {  	s2 =	sadd.s32 s2, s17  }
0x8e: {  	[smem:$0x3FC6] =	sst s2  }
0x8f: {  	_ = 	snop  }
0x90: {  	s2 =	sld [smem:$0x3FC9]  }
0x91: {  	s18 =	sld [smem:$0x3FC8];
	(tm) =	ssettm $0x1  }
0x92: {  	s4 =	sld [smem:$0x3FFB];
	_ =	sdelay $0x3  }
0x93: {  	_ =	strace s4  }
0x94: {  	s4 =	sld [smem:$0x3FFC];
	_ =	sdelay $0x3  }
0x95: {  	_ =	strace s4  }
0x96: {  	s4 =	sld [smem:$0x3FFD];
	_ =	sdelay $0x3  }
0x97: {  	_ =	strace s4  }
0x98: {  	_ =	strace $0x8FFFFFFF  }
0x99: {  	s19 =	sld [smem:$0x3FDB];
	_ =	sdelay $0x1  }
0x9a: {  	s5 =	simm.s32 $_scs_section_size  }
0x9b: {  	s6 =	simm.s32 $_size__tile_overlayer_lowered;
	s7 =	simm.s32 $_tile_overlayer_lowered  }
0x9c: {  	s22 =	simm.s32 $0x1BFF;
	s21 =	sshll.u32 s7, $0x1;
	s4 =	sadd.s32 s5, s19  }
0x9d: {  	s8 =	simm.s32 $0x0;
	s20 =	sshll.u32 s6, $0x1;
	s6 =	sadd.s32 s21, s4  }
0x9e: {  	[timem:s8], [sflag:s22] =	dma.local [hbm:s6], s20  }
0x9f: {  	_ =	swait.ge [sflag:s22], s20  }
0xa0: {  	s5 =	ssub.s32 $0x0, s20;
	[sflag:s22] =	ssyncset.done $0x0  }
0xa1: {  	[sflag:s22] =	ssyncadd.s32 s5;
	_ =	sdelay $0x1  }
0xa2: {  	s23 =	simm.s32 $0x1B8B  }
0xa3: {  	_ =	swait.ge [sflag:s23], $0x1  }
0xa4: {  	[sflag:s23] =	ssyncset.done $0x0  }
0xa5: {  	s25 =	simm.s32 $0x1B8E;
	s24 =	sld [smem:$0x3FFE];
	[sflag:s23] =	ssyncadd.s32 $0xFFFFFFFF  }
0xa6: {  	s26 =	simm.s32 $execute0_lowered;
	[smem:$0x3FD2] =	sst s25  }
0xa7: {  	s6 =	sshll.u32 s26, $0x1;
	_ =	strace $0x80000046;
	[dreg:$0x1] =	wrdreg $0xFFFFFFFF  }
0xa8: {  	s28 =	simm.s32 $_size_execute0_lowered;
	s4 =	sadd.s32 s4, s6;
	[dreg:$0x0] =	wrdreg $0x0  }
0xa9: {  	s6 =	sshll.u32 s28, $0x1;
	[dreg:$0x2] =	wrdreg s4  }
0xaa: {  	[dreg:$0x3] =	wrdreg s6  }
0xab: {  	[dreg:$0x4] =	wrdreg $0xC0  }
0xac: {  	_ =	task [dreg:s8], $0x5FFFF  }
0xad: {  	[dreg:$0x1] =	wrdreg $0xFFFFFFFF  }
0xae: {  	[dreg:$0x0] =	wrdreg $0x60  }
0xaf: {  	[dreg:$0x2] =	wrdreg s2  }
0xb0: {  	[dreg:$0x3] =	wrdreg s18  }
0xb1: {  	[dreg:$0x4] =	wrdreg s24  }
0xb2: {  	[dreg:$0x5] =	wrdreg $0x9  }
0xb3: {  	_ =	task.clear_ibuf [dreg:s8], $0x6FFFF;
	_ =	strace $0x90000046  }
0xb4: {  	s29 =	simm.s32 $0x9;
	_ =	strace $0x80000048  }
0xb5: {  	_ =	swait.ge [sflag:s29], $0x1  }
0xb6: {  	[sflag:s29] =	ssyncadd.s32 $0xFFFFFFFF  }
0xb7: {  	_ =	strace $0x90000048  }
0xb8: {  	_ =	sfence  }
0xb9: {  	s30 =	sld [smem:$0x0];
	_ =	sdelay $0x2  }
0xba: {  	s31 =	sshll.u32 s1, $0xD;
	s1 =	sshrl.u32 s1, $0x2  }
0xbb: {  	s3 =	sand.u32 $0x4000, s31;
	s1 =	sadd.s32 s1, s30  }
0xbc: {  	s0 =	sor.u32 s3, s0;
	s1 =	sshll.u32 s1, $0x11  }
0xbd: {  	s0 =	sor.u32 s1, s0  }
0xbe: {  	s0 =	sadd.s32 $0x8F2B, s0  }
0xbf: {  	[sflag:s0] =	ssyncadd.remote.s32 $0x1  }
0xc0: {  	_ =	sfence.sel $0xFFFF  }
0xc1: {  	[dreg:$0x0] =	wrdreg $0xFFFFFFFF;
	(pc) =	sbr.abs _section_cstart, $3  }
0xc2: {  	[dreg:$0x1] =	wrdreg $0xFFFFFFFF  }
0xc3: {  	_ =	task.clear_ibuf [dreg:s8], $0x2FFFF;
	_ =	strace $0x9FFFFFFF  }
0xc4: {  	(tm) =	ssettm $0x7FFFFFFF  }
0xc5: {  	_ =	shalt  }
tec
execute0_lowered:
.L_overlay_start_1:
0x0: {  	(tag) =	ssettag $0x1  }
0x1: {  	s1 =	rddreg [dreg:$0x0]  }
0x2: {  	s2 =	rddreg [dreg:$0x1]  }
0x3: {  	s4 =	rddreg [dreg:$0x2]  }
0x4: {  	s0 =	rddreg [dreg:$0x3];
	s3 =	simm.s32 $0x0  }
0x5: {  	s5 =	srdreg.scid;
	s10 =	simm.s32 $0x80;
	s11 =	simm.s32 $0x2080  }
0x6: {  	s12 =	simm.s32 $0x0;
	s15 =	simm.s32 $0x0;
	s5 =	sand.u32 $0x1, s5  }
0x7: {  	[smem:$0x7FF] =	sst s3;
	s6 =	sadd.s32 $0xA00, s4;
	s7 =	ssub.s32 $0x2, s5  }
0x8: {  	s4 =	stileid.u32;
	_ =	strace $0x80000047;
	s8 =	sshrl.u32 s7, $0x1  }
0x9: {  	s31 =	sshll.u32 s5, $0x9;
	s9 =	sshll.u32 s4, $0x5;
	s8 =	ssub.s32 s7, s8  }
0xa: {  	v0 =	vlaneseq.u32;
	s7 =	sor.u32 s9, s31;
	s9 =	simm.s32 $0x1;
	s8 =	smax.u32 s8, $0x1  }
.LBB2_1:
0xb: {  	[tilespmem:s3], [sflag:$0x1] =	stream.linear.gather [hbm4b:s2+s3], $0x10, $0x38;
	[tilespmem:$0x4080] =	vst v63  }
0xc: {  	_ =	swait.ge [sflag:s9], $0x10  }
0xd: {  	[sflag:s9] =	ssyncset.done $0x0  }
0xe: {  	p1 =	por $0x1, $0x1;
	s13 =	simm.s32 $0x0;
	[sflag:s9] =	ssyncadd.s32 $0xFFFFFFF0  }
.LBB2_2:
0xf: {  	s14 =	sor.u32 s7, s13  }
0x10: {  	s13 =	sshll.u32 s14, $0x6  }
0x11: {  	s16 =	sadd.s32 s1, s13  }
0x12: {  	[tilespmem:s10], [sflag:$0x1] =	stream.linear.gather [hbm4b:s16+s15], $0x2000, $0x38;
	[tilespmem:$0x4080] =	vst v63  }
0x13: {  	_ =	swait.ge [sflag:s9], $0x2000  }
0x14: {  	[sflag:s9] =	ssyncset.done $0x0  }
0x15: {  	p0 =	por p1, p1;
	s16 =	simm.s32 $0x0;
	[sflag:s9] =	ssyncadd.s32 $0xFFFFE000  }
.LBB2_3:
0x16: {  	s20 =	sor.u32 s14, s16  }
0x17: {  	s17 =	sshll.u32 s20, $0x9  }
0x18: {  	v7 =	vor.u32 s15, v0;
	v5 =	vmov s17  }
0x19: {  	v1 =	vor.u32 v5, v7  }
0x1a: {  	v1 =	vadd.s32 $0x2A, v1  }
0x1b: {  	v2 =	vshrl.u32 v1, $0x13;
	v3 =	vshll.u32 v1, $0xD  }
0x1c: {  	v2 =	vor.u32 v2, v3  }
0x1d: {  	v2 =	vxor.u32 v1, v2  }
0x1e: {  	v3 =	vshrl.u32 v2, $0x11;
	v4 =	vshll.u32 v2, $0xF  }
0x1f: {  	v1 =	vadd.s32 v1, v2;
	v2 =	vor.u32 v3, v4  }
0x20: {  	v2 =	vxor.u32 v1, v2  }
0x21: {  	v3 =	vshrl.u32 v2, $0x6;
	v4 =	vshll.u32 v2, $0x1A  }
0x22: {  	v1 =	vadd.s32 v1, v2;
	v2 =	vor.u32 v3, v4  }
0x23: {  	v2 =	vxor.u32 v1, v2  }
0x24: {  	v3 =	vshrl.u32 v2, $0x1A;
	v4 =	vshll.u32 v2, $0x6  }
0x25: {  	v1 =	vadd.s32 v1, v2;
	v2 =	vor.u32 v3, v4  }
0x26: {  	v2 =	vxor.u32 v1, v2  }
0x27: {  	v2 =	vadd.s32 $0x1BD11BF1, v2  }
0x28: {  	v1 =	vadd.s32 v2, v1;
	v3 =	vshrl.u32 v2, $0xF;
	v2 =	vshll.u32 v2, $0x11  }
0x29: {  	v1 =	vadd.s32 $0x2A, v1;
	v2 =	vor.u32 v3, v2  }
0x2a: {  	v2 =	vxor.u32 v1, v2  }
0x2b: {  	v3 =	vshrl.u32 v2, $0x3;
	v4 =	vshll.u32 v2, $0x1D  }
0x2c: {  	v1 =	vadd.s32 v1, v2;
	v2 =	vor.u32 v3, v4  }
0x2d: {  	v2 =	vxor.u32 v1, v2  }
0x2e: {  	v3 =	vshrl.u32 v2, $0x10;
	v4 =	vshll.u32 v2, $0x10  }
0x2f: {  	v1 =	vadd.s32 v1, v2;
	v2 =	vor.u32 v3, v4  }
0x30: {  	v2 =	vxor.u32 v1, v2  }
0x31: {  	v3 =	vshrl.u32 v2, $0x8;
	v4 =	vshll.u32 v2, $0x18  }
0x32: {  	v1 =	vadd.s32 v1, v2;
	v2 =	vor.u32 v3, v4  }
0x33: {  	v2 =	vxor.u32 v1, v2  }
0x34: {  	v2 =	vadd.s32 $0x2, v2  }
0x35: {  	v3 =	vld [tilespmem:s5+$0x0];
	v1 =	vadd.s32 v2, v1;
	v4 =	vshrl.u32 v2, $0x13;
	v2 =	vshll.u32 v2, $0xD  }
0x36: {  	v1 =	vadd.s32 $0x1BD11BF0, v1;
	v2 =	vor.u32 v4, v2  }
0x37: {  	v2 =	vxor.u32 v1, v2  }
0x38: {  	v4 =	vshrl.u32 v2, $0x11;
	v6 =	vshll.u32 v2, $0xF  }
0x39: {  	s19 =	simm.s32 $0x10;
	v2 =	vadd.s32 v1, v2;
	v4 =	vor.u32 v4, v6  }
0x3a: {  	(v2sf) =	vpush v3, $0x0;
	v1 =	vor.u32 s19, v0;
	v3 =	vxor.u32 v2, v4  }
0x3b: {  	v4 =	vor.u32 v5, v1;
	v6 =	vshrl.u32 v3, $0x6;
	v8 =	vshll.u32 v3, $0x1A  }
0x3c: {  	v4 =	vadd.s32 $0x2A, v4;
	v2 =	vadd.s32 v2, v3;
	v3 =	vor.u32 v6, v8  }
0x3d: {  	v6 =	vshrl.u32 v4, $0x13;
	v3 =	vxor.u32 v2, v3  }
0x3e: {  	v8 =	vshll.u32 v4, $0xD;
	v9 =	vshrl.u32 v3, $0x1A;
	v10 =	vshll.u32 v3, $0x6  }
0x3f: {  	v6 =	vor.u32 v6, v8;
	v2 =	vadd.s32 v2, v3;
	v3 =	vor.u32 v9, v10  }
0x40: {  	v6 =	vxor.u32 v4, v6;
	v3 =	vxor.u32 v2, v3  }
0x41: {  	v8 =	vshrl.u32 v6, $0x11;
	v9 =	vshll.u32 v6, $0xF;
	v3 =	vadd.s32 $0x2D, v3  }
0x42: {  	v4 =	vadd.s32 v4, v6;
	v6 =	vshrl.u32 v3, $0xF;
	v10 =	vshll.u32 v3, $0x11  }
0x43: {  	v8 =	vor.u32 v8, v9;
	v2 =	vadd.s32 v2, v3;
	v3 =	vor.u32 v6, v10  }
0x44: {  	v6 =	vxor.u32 v4, v8;
	v3 =	vxor.u32 v2, v3  }
0x45: {  	v8 =	vshrl.u32 v6, $0x6;
	v9 =	vshrl.u32 v3, $0x3;
	v10 =	vshll.u32 v3, $0x1D  }
0x46: {  	v11 =	vshll.u32 v6, $0x1A;
	v2 =	vadd.s32 v2, v3;
	v3 =	vor.u32 v9, v10  }
0x47: {  	v4 =	vadd.s32 v4, v6;
	v6 =	vor.u32 v8, v11;
	v3 =	vxor.u32 v2, v3  }
0x48: {  	v6 =	vxor.u32 v4, v6;
	v8 =	vshrl.u32 v3, $0x10;
	v9 =	vshll.u32 v3, $0x10  }
0x49: {  	v4 =	vadd.s32 v4, v6;
	v2 =	vadd.s32 v2, v3;
	v3 =	vor.u32 v8, v9  }
0x4a: {  	v9 =	vshrl.u32 v6, $0x1A;
	v6 =	vshll.u32 v6, $0x6;
	v3 =	vxor.u32 v2, v3  }
0x4b: {  	s29 =	sshll.u32 s16, $0x9;
	s18 =	sshll.u32 s16, $0x7;
	v6 =	vor.u32 v9, v6;
	v9 =	vshrl.u32 v3, $0x8;
	v10 =	vshll.u32 v3, $0x18  }
0x4c: {  	s18 =	sand.u32 $0x380, s18;
	s17 =	sand.u32 $0x1000, s29;
	v6 =	vxor.u32 v4, v6;
	v3 =	vadd.s32 v2, v3;
	v9 =	vor.u32 v9, v10  }
0x4d: {  	s30 =	sand.u32 $0xC00, s15;
	s17 =	sor.u32 s17, s18;
	v6 =	vadd.s32 $0x1BD11BF1, v6;
	v9 =	vxor.u32 v3, v9  }
0x4e: {  	s21 =	sand.u32 $0x70, s15;
	s18 =	sor.u32 s30, s17;
	v4 =	vadd.s32 v6, v4;
	v11 =	vshrl.u32 v6, $0xF;
	v6 =	vshll.u32 v6, $0x11  }
0x4f: {  	s18 =	sor.u32 s21, s18;
	v9 =	vadd.s32 $0x1BD11BF4, v9;
	v4 =	vadd.s32 $0x2A, v4;
	v6 =	vor.u32 v11, v6  }
0x50: {  	v8 =	vld [tilespmem:s18+$0x80];
	v3 =	vadd.s32 v9, v3;
	v10 =	vshrl.u32 v9, $0x13;
	v9 =	vshll.u32 v9, $0xD  }
0x51: {  	v6 =	vxor.u32 v4, v6;
	v3 =	vadd.s32 $0x2A, v3;
	v9 =	vor.u32 v10, v9  }
0x52: {  	v4 =	vadd.s32 v4, v6;
	v9 =	vxor.u32 v3, v9  }
0x53: {  	v10 =	vshrl.u32 v9, $0x11;
	v11 =	vshll.u32 v9, $0xF;
	v3 =	vadd.s32 v3, v9  }
0x54: {  	v9 =	vor.u32 v10, v11;
	v10 =	vshrl.u32 v6, $0x3;
	v6 =	vshll.u32 v6, $0x1D  }
0x55: {  	v8 =	vsub.f32 $0.0e+00, v8;
	v9 =	vxor.u32 v3, v9;
	v6 =	vor.u32 v10, v6  }
0x56: {  	v11 =	vshrl.u32 v9, $0x6;
	v12 =	vshll.u32 v9, $0x1A;
	v6 =	vxor.u32 v4, v6  }
0x57: {  	v3 =	vadd.s32 v3, v9;
	v9 =	vor.u32 v11, v12;
	v10 =	vshrl.u32 v6, $0x10  }
0x58: {  	v13 =	vshll.u32 v6, $0x10;
	v4 =	vadd.s32 v4, v6;
	v9 =	vxor.u32 v3, v9  }
0x59: {  	v6 =	vor.u32 v10, v13;
	v11 =	vshrl.u32 v9, $0x1A;
	v55 =	vshll.u32 v9, $0x6  }
0x5a: {  	v3 =	vadd.s32 v3, v9;
	v6 =	vxor.u32 v4, v6;
	v9 =	vor.u32 v11, v55  }
0x5b: {  	v8 =	vmul.f32 $1.442695020e+00, v8;
	v10 =	vshrl.u32 v6, $0x8;
	v9 =	vxor.u32 v3, v9  }
0x5c: {  	s20 =	sand.u32 $0x1FF, s20;
	s31 =	spop (v2sf);
	v11 =	vshll.u32 v6, $0x18;
	v3 =	vadd.s32 $0x1BD11BF0, v3;
	v9 =	vadd.s32 $0x5, v9  }
0x5d: {  	s22 =	ssub.s32 s20, s31;
	v6 =	vadd.s32 v4, v6;
	v4 =	vor.u32 v10, v11;
	v3 =	vxor.u32 v3, v9  }
0x5e: {  	s22 =	sshra.s32 s22, $0x1F;
	v4 =	vxor.u32 v6, v4;
	v3 =	vshrl.u32 v3, $0x9  }
0x5f: {  	s21 =	sand.u32 s31, s22;
	(erf) = vpow2.f32 v8;
	v8 =	vadd.s32 $0x2, v4;
	v9 =	vor.u32 $0x3F800000, v3  }
0x60: {  	v2 =	vmov s21;
	v6 =	vadd.s32 v8, v6;
	v9 =	vadd.f32 $-1.000000000e+00, v9  }
0x61: {  	v10 =	vshrl.u32 v8, $0x13;
	v8 =	vshll.u32 v8, $0xD;
	v3 =	vmov s20  }
0x62: {  	s20 =	simm.s32 $0x20;
	v6 =	vadd.s32 $0x1BD11BF0, v6;
	v8 =	vor.u32 v10, v8;
	v9 =	vmul.f32 $9.999979730e-01, v9  }
0x63: {  	vm1 =	vlt.s32 v7, v2;
	v4 =	vor.u32 s20, v0;
	v8 =	vxor.u32 v6, v8  }
0x64: {  	v11 =	vor.u32 v5, v4;
	v56 =	vshrl.u32 v8, $0x11;
	v9 =	vadd.f32 $9.999999970e-07, v9  }
0x65: {  	v57 =	vshll.u32 v8, $0xF;
	v8 =	vadd.s32 v6, v8;
	v10 =	vadd.s32 $0x2A, v11  }
0x66: {  	v12 =	vor.u32 v56, v57;
	v11 =	vshrl.u32 v10, $0x13;
	v6 =	vmax.f32 v9, $9.999999970e-07  }
0x67: {  	v12 =	vxor.u32 v8, v12;
	v9 =	vshll.u32 v10, $0xD;
	v58 =	vsub.f32 $1.000000000e+00, v6  }
0x68: {  	v15 =	vpop (erf);
	v14 =	vshll.u32 v12, $0x1A;
	v9 =	vor.u32 v11, v9;
	v11 =	vshrl.u32 v12, $0x6  }
0x69: {  	v8 =	vadd.s32 v8, v12;
	v11 =	vor.u32 v11, v14;
	v59 =	vmul.f32 v15, v58  }
0x6a: {  	vm0 =	vne.s32 v7, v3;
	v9 =	vxor.u32 v10, v9;
	v11 =	vxor.u32 v8, v11  }
0x6b: {  	v7 =	vshrl.u32 v11, $0x1A;
	v60 =	vshll.u32 v11, $0x6;
	v12 =	vadd.f32 v59, v6  }
0x6c: {  	v61 =	vshrl.u32 v9, $0x11;
	v11 =	vadd.s32 v8, v11;
	v7 =	vor.u32 v7, v60  }
0x6d: {  	v8 =	vshll.u32 v9, $0xF;
	v7 =	vxor.u32 v11, v7;
	(erf) = vrcp.f32 v12  }
0x6e: {  	v9 =	vadd.s32 v10, v9;
	v8 =	vor.u32 v61, v8;
	v7 =	vadd.s32 $0x2D, v7  }
0x6f: {  	v62 =	vxor.u32 v9, v8;
	v10 =	vshrl.u32 v7, $0xF;
	v63 =	vshll.u32 v7, $0x11  }
0x70: {  	v8 =	vadd.s32 v9, v62;
	v7 =	vadd.s32 v11, v7;
	v9 =	vor.u32 v10, v63  }
0x71: {  	s22 =	simm.s32 $0x30;
	s21 =	simm.s32 $0x0;
	v11 =	vshll.u32 v62, $0x1A;
	v10 =	vshrl.u32 v62, $0x6;
	v9 =	vxor.u32 v7, v9  }
.LBB2_4:
0x72: {  	p1 =	sne.s32 s22, $0x1F0;
	v10 =	vor.u32 v10, v11;
	v11 =	vshrl.u32 v9, $0x3;
	v12 =	vshll.u32 v9, $0x1D;
	s21 =	sadd.s32 $0x80, s21  }
0x73: {  	v7 =	vadd.s32 v7, v9;
	v10 =	vxor.u32 v8, v10;
	v9 =	vor.u32 v11, v12;
	s23 =	sand.u32 $0xC00, s21  }
0x74: {  	s24 =	sand.u32 $0x70, s19;
	vm0 =	vmand vm1, vm0;
	s19 =	smov.u32 s20;
	v8 =	vadd.s32 v8, v10;
	v9 =	vxor.u32 v7, v9;
	s23 =	sor.u32 s23, s17  }
0x75: {  	s20 =	smov.u32 s22;
	v11 =	vshrl.u32 v10, $0x1A;
	v12 =	vshrl.u32 v9, $0x10;
	v14 =	vshll.u32 v9, $0x10;
	s23 =	sor.u32 s24, s23  }
0x76: {  	v10 =	vshll.u32 v10, $0x6;
	v7 =	vadd.s32 v7, v9;
	v9 =	vor.u32 v12, v14;
	v12 =	vld [tilespmem:s23+$0x80];
	v13 =	vpop (erf)  }
0x77: {  	v10 =	vor.u32 v11, v10;
	v9 =	vxor.u32 v7, v9;
	v6 =	vmul.f32 v13, v6  }
0x78: {  	v10 =	vxor.u32 v8, v10;
	v11 =	vshrl.u32 v9, $0x8;
	v13 =	vshll.u32 v9, $0x18  }
0x79: {  	v7 =	vadd.s32 v7, v9;
	v9 =	vor.u32 v11, v13;
	v6 =	vnsel vm0, $0x0, v6  }
0x7a: {  	v10 =	vadd.s32 $0x1BD11BF1, v10;
	v9 =	vxor.u32 v7, v9;
	[tilespmem:s18+$0x2080] =	vst v6;
	s18 =	smov.u32 s23  }
0x7b: {  	v6 =	vadd.s32 v10, v8;
	v8 =	vadd.s32 $0x1BD11BF4, v9;
	v9 =	vsub.f32 $0.0e+00, v12  }
0x7c: {  	v7 =	vadd.s32 v8, v7;
	v11 =	vshrl.u32 v8, $0x13;
	v8 =	vshll.u32 v8, $0xD  }
0x7d: {  	v12 =	vshrl.u32 v10, $0xF;
	v7 =	vadd.s32 $0x2A, v7;
	v8 =	vor.u32 v11, v8  }
0x7e: {  	v6 =	vadd.s32 $0x2A, v6;
	v10 =	vshll.u32 v10, $0x11;
	v8 =	vxor.u32 v7, v8  }
0x7f: {  	v10 =	vor.u32 v12, v10;
	v11 =	vshrl.u32 v8, $0x11;
	v12 =	vshll.u32 v8, $0xF  }
0x80: {  	v10 =	vxor.u32 v6, v10;
	v7 =	vadd.s32 v7, v8;
	v8 =	vor.u32 v11, v12  }
0x81: {  	v6 =	vadd.s32 v6, v10;
	v11 =	vshrl.u32 v10, $0x3;
	v8 =	vxor.u32 v7, v8  }
0x82: {  	v10 =	vshll.u32 v10, $0x1D;
	v12 =	vshrl.u32 v8, $0x6;
	v13 =	vshll.u32 v8, $0x1A  }
0x83: {  	v10 =	vor.u32 v11, v10;
	v7 =	vadd.s32 v7, v8;
	v8 =	vor.u32 v12, v13  }
0x84: {  	v9 =	vmul.f32 $1.442695020e+00, v9;
	v10 =	vxor.u32 v6, v10;
	v8 =	vxor.u32 v7, v8  }
0x85: {  	v11 =	vshrl.u32 v10, $0x10;
	v12 =	vshrl.u32 v8, $0x1A;
	v13 =	vshll.u32 v8, $0x6  }
0x86: {  	v14 =	vshll.u32 v10, $0x10;
	v7 =	vadd.s32 v7, v8;
	v8 =	vor.u32 v12, v13  }
0x87: {  	v6 =	vadd.s32 v6, v10;
	v10 =	vor.u32 v11, v14;
	v8 =	vxor.u32 v7, v8  }
0x88: {  	v10 =	vxor.u32 v6, v10;
	v7 =	vadd.s32 $0x1BD11BF0, v7;
	v8 =	vadd.s32 $0x5, v8  }
0x89: {  	v11 =	vshrl.u32 v10, $0x8;
	v12 =	vshll.u32 v10, $0x18;
	v7 =	vxor.u32 v7, v8  }
0x8a: {  	v6 =	vadd.s32 v6, v10;
	v8 =	vor.u32 v11, v12;
	v7 =	vshrl.u32 v7, $0x9  }
0x8b: {  	v8 =	vxor.u32 v6, v8;
	v7 =	vor.u32 $0x3F800000, v7;
	(erf) = vpow2.f32 v9  }
0x8c: {  	v8 =	vadd.s32 $0x2, v8;
	v7 =	vadd.f32 $-1.000000000e+00, v7  }
0x8d: {  	vm0 =	vne.s32 v1, v3;
	v9 =	vor.u32 s22, v0;
	v6 =	vadd.s32 v8, v6  }
0x8e: {  	v10 =	vshrl.u32 v8, $0x13;
	v8 =	vshll.u32 v8, $0xD;
	v7 =	vmul.f32 $9.999979730e-01, v7  }
0x8f: {  	v11 =	vor.u32 v5, v9;
	v6 =	vadd.s32 $0x1BD11BF0, v6;
	v8 =	vor.u32 v10, v8  }
0x90: {  	v10 =	vadd.s32 $0x2A, v11;
	v8 =	vxor.u32 v6, v8;
	v7 =	vadd.f32 $9.999999970e-07, v7  }
0x91: {  	v11 =	vshrl.u32 v10, $0x13;
	v12 =	vshrl.u32 v8, $0x11;
	v13 =	vshll.u32 v8, $0xF  }
0x92: {  	v8 =	vadd.s32 v6, v8;
	v12 =	vor.u32 v12, v13;
	v6 =	vmax.f32 v7, $9.999999970e-07  }
0x93: {  	v12 =	vxor.u32 v8, v12;
	v7 =	vshll.u32 v10, $0xD;
	v13 =	vsub.f32 $1.000000000e+00, v6  }
0x94: {  	v14 =	vshll.u32 v12, $0x1A;
	v7 =	vor.u32 v11, v7;
	v11 =	vshrl.u32 v12, $0x6;
	v15 =	vpop (erf)  }
0x95: {  	v8 =	vadd.s32 v8, v12;
	v11 =	vor.u32 v11, v14;
	v12 =	vmul.f32 v15, v13  }
0x96: {  	vm1 =	vlt.s32 v1, v2;
	v1 =	vmovc v4;
	v7 =	vxor.u32 v10, v7;
	v11 =	vxor.u32 v8, v11  }
0x97: {  	v4 =	vmovc v9;
	v13 =	vshrl.u32 v11, $0x1A;
	v14 =	vshll.u32 v11, $0x6;
	v12 =	vadd.f32 v12, v6  }
0x98: {  	v9 =	vshrl.u32 v7, $0x11;
	v11 =	vadd.s32 v8, v11;
	v8 =	vor.u32 v13, v14  }
.Ltmp0:
0x99: {  	v13 =	vshll.u32 v7, $0xF;
	v8 =	vxor.u32 v11, v8;
	(erf) = vrcp.f32 v12;
	(pc) =	sbr.rel @p1 .LBB2_4-.Ltmp0, $4  }
0x9a: {  	v7 =	vadd.s32 v10, v7;
	v9 =	vor.u32 v9, v13;
	v10 =	vadd.s32 $0x2D, v8  }
0x9b: {  	v9 =	vxor.u32 v7, v9;
	v12 =	vshrl.u32 v10, $0xF;
	v13 =	vshll.u32 v10, $0x11  }
0x9c: {  	v8 =	vadd.s32 v7, v9;
	v7 =	vadd.s32 v11, v10;
	v12 =	vor.u32 v12, v13  }
0x9d: {  	s22 =	sadd.s32 $0x10, s22;
	v10 =	vshrl.u32 v9, $0x6;
	v11 =	vshll.u32 v9, $0x1A;
	v9 =	vxor.u32 v7, v12  }
0x9e: {  	v5 =	vor.u32 v10, v11  }
0x9f: {  	v5 =	vxor.u32 v8, v5  }
0xa0: {  	v50 =	vshrl.u32 v5, $0x1A;
	v51 =	vshll.u32 v5, $0x6  }
0xa1: {  	v5 =	vadd.s32 v8, v5;
	v52 =	vor.u32 v50, v51  }
0xa2: {  	v8 =	vxor.u32 v5, v52  }
0xa3: {  	v8 =	vadd.s32 $0x1BD11BF1, v8  }
0xa4: {  	v5 =	vadd.s32 v8, v5;
	v53 =	vshrl.u32 v8, $0xF;
	v8 =	vshll.u32 v8, $0x11  }
0xa5: {  	v5 =	vadd.s32 $0x2A, v5;
	v8 =	vor.u32 v53, v8  }
0xa6: {  	v8 =	vxor.u32 v5, v8  }
0xa7: {  	v54 =	vshrl.u32 v9, $0x3;
	v55 =	vshrl.u32 v8, $0x3;
	v12 =	vshll.u32 v8, $0x1D  }
0xa8: {  	v56 =	vshll.u32 v9, $0x1D;
	v5 =	vadd.s32 v5, v8;
	v11 =	vor.u32 v55, v12  }
0xa9: {  	v7 =	vadd.s32 v7, v9;
	v8 =	vor.u32 v54, v56;
	v57 =	vxor.u32 v5, v11  }
0xaa: {  	v8 =	vxor.u32 v7, v8;
	v58 =	vshrl.u32 v57, $0x10;
	v11 =	vshll.u32 v57, $0x10  }
0xab: {  	v59 =	vshrl.u32 v8, $0x10;
	v5 =	vadd.s32 v5, v57;
	v60 =	vor.u32 v58, v11  }
0xac: {  	v61 =	vshll.u32 v8, $0x10;
	v7 =	vadd.s32 v7, v8;
	v62 =	vxor.u32 v5, v60  }
0xad: {  	v63 =	vor.u32 v59, v61;
	v12 =	vshrl.u32 v62, $0x8;
	v13 =	vshll.u32 v62, $0x18  }
0xae: {  	v9 =	vxor.u32 v7, v63;
	v5 =	vadd.s32 v5, v62;
	v14 =	vor.u32 v12, v13  }
0xaf: {  	v15 =	vshrl.u32 v9, $0x8;
	v16 =	vshll.u32 v9, $0x18;
	v8 =	vxor.u32 v5, v14  }
0xb0: {  	v7 =	vadd.s32 v7, v9;
	v17 =	vor.u32 v15, v16;
	v8 =	vadd.s32 $0x2, v8  }
0xb1: {  	v5 =	vadd.s32 v8, v5;
	v18 =	vshrl.u32 v8, $0x13;
	v8 =	vshll.u32 v8, $0xD  }
0xb2: {  	v9 =	vxor.u32 v7, v17;
	v5 =	vadd.s32 $0x1BD11BF0, v5;
	v8 =	vor.u32 v18, v8  }
0xb3: {  	s21 =	sadd.s32 $0x80, s21;
	v9 =	vadd.s32 $0x1BD11BF4, v9;
	v8 =	vxor.u32 v5, v8  }
0xb4: {  	s22 =	sand.u32 $0xC00, s21;
	v7 =	vadd.s32 v9, v7;
	v19 =	vshrl.u32 v8, $0x11;
	v20 =	vshll.u32 v8, $0xF  }
0xb5: {  	s19 =	sand.u32 $0x70, s19;
	s22 =	sor.u32 s22, s17;
	v21 =	vshrl.u32 v9, $0x13;
	v5 =	vadd.s32 v5, v8;
	v22 =	vor.u32 v19, v20  }
0xb6: {  	s19 =	sor.u32 s19, s22;
	v9 =	vshll.u32 v9, $0xD;
	v7 =	vadd.s32 $0x2A, v7;
	v8 =	vxor.u32 v5, v22  }
0xb7: {  	v36 =	vld [tilespmem:s19+$0x80];
	v9 =	vor.u32 v21, v9;
	v23 =	vshrl.u32 v8, $0x6;
	v24 =	vshll.u32 v8, $0x1A  }
0xb8: {  	v9 =	vxor.u32 v7, v9;
	v5 =	vadd.s32 v5, v8;
	v25 =	vor.u32 v23, v24  }
0xb9: {  	v26 =	vshrl.u32 v9, $0x11;
	v8 =	vxor.u32 v5, v25  }
0xba: {  	v27 =	vshll.u32 v9, $0xF;
	v28 =	vshrl.u32 v8, $0x1A;
	v29 =	vshll.u32 v8, $0x6  }
0xbb: {  	v7 =	vadd.s32 v7, v9;
	v5 =	vadd.s32 v5, v8;
	v30 =	vor.u32 v28, v29  }
0xbc: {  	v9 =	vsub.f32 $0.0e+00, v36;
	v10 =	vor.u32 v26, v27;
	v8 =	vxor.u32 v5, v30  }
0xbd: {  	v31 =	vxor.u32 v7, v10;
	v8 =	vadd.s32 $0x2D, v8  }
0xbe: {  	v9 =	vmul.f32 $1.442695020e+00, v9;
	v33 =	vshrl.u32 v8, $0xF;
	v34 =	vshll.u32 v8, $0x11  }
0xbf: {  	v10 =	vshrl.u32 v31, $0x6;
	v5 =	vadd.s32 v5, v8;
	v35 =	vor.u32 v33, v34  }
0xc0: {  	v32 =	vshll.u32 v31, $0x1A;
	v7 =	vadd.s32 v7, v31;
	v8 =	vxor.u32 v5, v35  }
0xc1: {  	v10 =	vor.u32 v10, v32;
	v37 =	vshrl.u32 v8, $0x3;
	v38 =	vshll.u32 v8, $0x1D  }
0xc2: {  	v10 =	vxor.u32 v7, v10;
	v5 =	vadd.s32 v5, v8;
	v11 =	vor.u32 v37, v38  }
0xc3: {  	v39 =	vshrl.u32 v10, $0x1A;
	v40 =	vshll.u32 v10, $0x6;
	v41 =	vxor.u32 v5, v11  }
0xc4: {  	v7 =	vadd.s32 v7, v10;
	v11 =	vshrl.u32 v41, $0x10;
	v10 =	vshll.u32 v41, $0x10  }
0xc5: {  	v8 =	vor.u32 v39, v40;
	v5 =	vadd.s32 v5, v41;
	v10 =	vor.u32 v11, v10  }
0xc6: {  	v8 =	vxor.u32 v7, v8;
	v7 =	vadd.s32 $0x1BD11BF0, v7;
	v10 =	vxor.u32 v5, v10  }
0xc7: {  	v8 =	vadd.s32 $0x5, v8;
	v42 =	vshrl.u32 v10, $0x8;
	v43 =	vshll.u32 v10, $0x18  }
0xc8: {  	v7 =	vxor.u32 v7, v8;
	v5 =	vadd.s32 v5, v10;
	v8 =	vor.u32 v42, v43  }
0xc9: {  	v7 =	vshrl.u32 v7, $0x9;
	v8 =	vxor.u32 v5, v8  }
0xca: {  	(erf) = vpow2.f32 v9;
	v7 =	vor.u32 $0x3F800000, v7;
	v8 =	vadd.s32 $0x1BD11BF4, v8  }
0xcb: {  	v5 =	vadd.s32 v8, v5;
	v44 =	vshrl.u32 v8, $0x13;
	v8 =	vshll.u32 v8, $0xD  }
0xcc: {  	v45 =	vpop (erf);
	v7 =	vadd.f32 $-1.000000000e+00, v7;
	v5 =	vadd.s32 $0x2A, v5;
	v8 =	vor.u32 v44, v8  }
0xcd: {  	vm0 =	vmand vm1, vm0;
	s21 =	sadd.s32 $0x80, s21;
	v6 =	vmul.f32 v45, v6;
	v8 =	vxor.u32 v5, v8  }
0xce: {  	s21 =	sand.u32 $0xC00, s21;
	v7 =	vmul.f32 $9.999979730e-01, v7;
	v46 =	vshrl.u32 v8, $0x11;
	v47 =	vshll.u32 v8, $0xF  }
0xcf: {  	s20 =	sand.u32 $0x70, s20;
	s31 =	sor.u32 s21, s17;
	v6 =	vnsel vm0, $0x0, v6;
	v5 =	vadd.s32 v5, v8;
	v48 =	vor.u32 v46, v47  }
0xd0: {  	s17 =	sor.u32 s20, s31;
	[tilespmem:s18+$0x2080] =	vst v6;
	v49 =	vadd.f32 $9.999999970e-07, v7;
	v50 =	vxor.u32 v5, v48  }
0xd1: {  	v51 =	vld [tilespmem:s17+$0x80];
	v52 =	vshrl.u32 v50, $0x6;
	v53 =	vshll.u32 v50, $0x1A  }
0xd2: {  	v6 =	vmax.f32 v49, $9.999999970e-07;
	v5 =	vadd.s32 v5, v50;
	v54 =	vor.u32 v52, v53  }
0xd3: {  	v55 =	vsub.f32 $1.000000000e+00, v6;
	v7 =	vxor.u32 v5, v54  }
0xd4: {  	v56 =	vpop (erf);
	v57 =	vshrl.u32 v7, $0x1A;
	v58 =	vshll.u32 v7, $0x6  }
0xd5: {  	v9 =	vmul.f32 v56, v55;
	v5 =	vadd.s32 v5, v7;
	v59 =	vor.u32 v57, v58  }
0xd6: {  	v8 =	vsub.f32 $0.0e+00, v51;
	v7 =	vxor.u32 v5, v59  }
0xd7: {  	v9 =	vadd.f32 v9, v6;
	v5 =	vadd.s32 $0x1BD11BF0, v5;
	v7 =	vadd.s32 $0x5, v7  }
0xd8: {  	v8 =	vmul.f32 $1.442695020e+00, v8;
	v5 =	vxor.u32 v5, v7  }
0xd9: {  	(erf) = vrcp.f32 v9;
	v5 =	vshrl.u32 v5, $0x9  }
0xda: {  	(erf) = vpow2.f32 v8;
	v5 =	vor.u32 $0x3F800000, v5  }
0xdb: {  	v5 =	vadd.f32 $-1.000000000e+00, v5;
	_ =	sdelay $0x1  }
0xdc: {  	v5 =	vmul.f32 $9.999979730e-01, v5;
	_ =	sdelay $0x1  }
0xdd: {  	v5 =	vadd.f32 $9.999999970e-07, v5;
	_ =	sdelay $0x1  }
0xde: {  	v5 =	vmax.f32 v5, $9.999999970e-07  }
0xdf: {  	v60 =	vpop (erf);
	v61 =	vsub.f32 $1.000000000e+00, v5  }
0xe0: {  	v62 =	vpop (erf)  }
0xe1: {  	v8 =	vmul.f32 v62, v61;
	_ =	sdelay $0x1  }
0xe2: {  	v8 =	vadd.f32 v8, v5;
	_ =	sdelay $0x1  }
0xe3: {  	(erf) = vrcp.f32 v8;
	_ =	sdelay $0x6  }
0xe4: {  	s16 =	sadd.s32 $0x1, s16  }
0xe5: {  	vm12 =	vne.s32 v1, v3;
	p1 =	sne.s32 s16, $0x10  }
.Ltmp1:
0xe6: {  	vm13 =	vlt.s32 v1, v2;
	vm14 =	vne.s32 v4, v3;
	v1 =	vmul.f32 v60, v6;
	v63 =	vpop (erf);
	(pc) =	sbr.rel @p1 .LBB2_3-.Ltmp1, $4  }
0xe7: {  	vm2 =	vlt.s32 v4, v2;
	vm0 =	vmand vm13, vm12;
	v2 =	vmul.f32 v63, v5  }
0xe8: {  	vm15 =	vmand vm2, vm14;
	v1 =	vnsel vm0, $0x0, v1  }
0xe9: {  	[tilespmem:s19+$0x2080] =	vst v1;
	v1 =	vnsel vm15, $0x0, v2  }
0xea: {  	[tilespmem:s17+$0x2080] =	vst v1  }
.Ltmp2:
0xeb: {  	s13 =	sadd.s32 s6, s13;
	(pc) =	sbr.rel @p0 .LBB2_2-.Ltmp2, $4  }
0xec: {  	[hbm4b:s13+s3] =	stream.linear.scatter [tilespmem:s11], [sflag:$0x1], $0x2000, $0x38;
	[tilespmem:$0x4080] =	vst v63  }
0xed: {  	_ =	swait.ge [sflag:s9], $0x2000  }
0xee: {  	[sflag:s9] =	ssyncset.done $0x0  }
0xef: {  	p1 =	por $0x0, $0x0;
	s13 =	simm.s32 $0x10;
	[sflag:s9] =	ssyncadd.s32 $0xFFFFE000  }
0xf0: {  	s12 =	sadd.s32 $0x1, s12  }
0xf1: {  	p0 =	sne.s32 s12, s8  }
.Ltmp3:
0xf2: {  	_ = 	snop;
	(pc) =	sbr.rel @p0 .LBB2_1-.Ltmp3, $1  }
0xf3: {  	_ =	sdelay $0x3  }
0xf4: {  	_ =	sfence.sel $0x180000  }
0xf5: {  	[bflag:$0x0] =	sbarrier.arrive $0xFFFF  }
0xf6: {  	p0 =	sne.s32 s4, $0x0;
	_ =	strace $0x90000047  }
0xf7: {  	s0 =	sadd.s32 @!p0 $0x100000, s0;
	[bflag:$0x2] =	sbarrier.arrive $0xFFFF  }
0xf8: {  	[sflag:s0] =	ssyncadd.tile.s32 @!p0 $0x1;
	_ =	shalt  }
.Lfunc_end2:
_tile_overlayer_lowered:
.L_overlay_start_2:
0xf9: {  	(tag) =	ssettag $0x2  }
0xfa: {  	s0 =	rddreg [dreg:$0x0];
	s2 =	stileid.u32  }
0xfb: {  	s1 =	rddreg [dreg:$0x1];
	p0 =	sne.s32 s2, $0x0  }
0xfc: {  	s3 =	rddreg [dreg:$0x2];
	[bflag:$0x3] =	sbarrier.arrive $0xFFFF;
	s2 =	simm.s32 @!p0 $0x1C01  }
0xfd: {  	[timem:s3], [sflag:s2] =	dma.local @!p0 [hbm:s0], s1  }
0xfe: {  	s0 =	simm.s32 @!p0 $0x1  }
0xff: {  	_ =	swait.ge @!p0 [sflag:s0], s1  }
0x100: {  	s1 =	ssub.s32 @!p0 $0x0, s1;
	[sflag:s0] =	ssyncset.done @!p0 $0x0  }
0x101: {  	[sflag:s0] =	ssyncadd.s32 @!p0 s1  }
0x102: {  	[bflag:$0x3] =	sbarrier.arrive $0xFFFF  }
0x103: {  	_ =	shalt  }

</sc_bundles>
